<compile_context>
chip_gen: v7x
topology: tpu7x:2x2x1
jax: 0.10.2.dev20260603
libtpu: 0.0.44.dev20260713+nightly
codegen_flags: <defaults>
</compile_context>

<pallas_src>
import jax
import jax.numpy as jnp
from jax.experimental import pallas as pl
from jax.experimental.pallas import tpu as pltpu
from jax.experimental.pallas import tpu_sc as plsc

F32 = jnp.float32

N_RAW = 22500
N_PAD = 22528
PRE = 12000
P_PAD = 12288
POST = 2000
THRESH = 0.7

I_BLK = 1024
J_CH = 1024

SC_NC = 2
SC_NS = 16
SC_NW = SC_NC * SC_NS
B_PER_W = N_PAD // SC_NW
SC_CHUNK = 88
SC_NCH = B_PER_W // SC_CHUNK
ROW_W = 128


def _rank_decode_kernel(s_col, s_row, anch_t, delt_t, img, rank_out, boxes_t):
    NB = N_PAD // J_CH
    def rank_blk(bi, carry):
        i0 = bi * I_BLK
        si = s_row[:, pl.ds(i0, I_BLK)]
        def geq_blk(bj, cnt):
            sj = s_col[pl.ds(bj * J_CH, J_CH), :]
            return cnt + jnp.sum(jnp.where(sj >= si, 1.0, 0.0).astype(F32),
                                 axis=0, keepdims=True)
        def gt_blk(bj, cnt):
            sj = s_col[pl.ds(bj * J_CH, J_CH), :]
            return cnt + jnp.sum(jnp.where(sj > si, 1.0, 0.0).astype(F32),
                                 axis=0, keepdims=True)
        cnt = jax.lax.fori_loop(0, bi, geq_blk,
                                jnp.zeros((1, I_BLK), F32))
        cnt = jax.lax.fori_loop(bi + 1, NB, gt_blk, cnt)
        sj = s_col[pl.ds(i0, J_CH), :]
        ij = jax.lax.broadcasted_iota(jnp.int32, (J_CH, 1), 0)
        ii = jax.lax.broadcasted_iota(jnp.int32, (1, I_BLK), 1)
        before = (sj > si) | ((sj == si) & (ij < ii))
        cnt = cnt + jnp.sum(jnp.where(before, 1.0, 0.0).astype(F32),
                            axis=0, keepdims=True)
        rank_out[:, pl.ds(i0, I_BLK)] = cnt.astype(jnp.int32)
        return carry
    jax.lax.fori_loop(0, N_PAD // I_BLK, rank_blk, 0)

    a0, a1, a2, a3 = (anch_t[0:1, :], anch_t[1:2, :],
                      anch_t[2:3, :], anch_t[3:4, :])
    d0, d1, d2, d3 = (delt_t[0:1, :], delt_t[1:2, :],
                      delt_t[2:3, :], delt_t[3:4, :])
    w = a2 - a0 + 1.0
    h = a3 - a1 + 1.0
    cx = a0 + 0.5 * w
    cy = a1 + 0.5 * h
    pcx = d0 * w + cx
    pcy = d1 * h + cy
    pw = jnp.exp(d2) * w
    ph = jnp.exp(d3) * h
    x1 = pcx - 0.5 * pw
    y1 = pcy - 0.5 * ph
    x2 = pcx + 0.5 * pw - 1.0
    y2 = pcy + 0.5 * ph - 1.0
    m = img[0, 0] - 1.0
    x1 = jnp.clip(x1, 0.0, m)
    y1 = jnp.clip(y1, 0.0, m)
    x2 = jnp.clip(x2, 0.0, m)
    y2 = jnp.clip(y2, 0.0, m)
    boxes_t[0:1, :] = x1
    boxes_t[1:2, :] = y1
    boxes_t[2:3, :] = x2
    boxes_t[3:4, :] = y2
    boxes_t[4:5, :] = jnp.maximum(x2 - x1, 0.0) * jnp.maximum(y2 - y1, 0.0)
    boxes_t[5:8, :] = jnp.zeros((3, N_PAD), F32)


def _sc_scatter_kernel(rows_hbm, rank_hbm, out_hbm, idx_v, rows_v, sem):
    wid = jax.lax.axis_index("s") * SC_NC + jax.lax.axis_index("c")
    base = wid * B_PER_W
    for k in range(SC_NCH):
        off = base + k * SC_CHUNK
        pltpu.sync_copy(rank_hbm.at[pl.ds(off, SC_CHUNK)], idx_v)
        pltpu.sync_copy(rows_hbm.at[pl.ds(off, SC_CHUNK)], rows_v)
        pltpu.async_copy(rows_v, out_hbm.at[idx_v], sem).wait()


def _nms_kernel(x1, y1, x2, y2, area, prop, rois, kept_scr, karea_scr, nxt_scr):
    R, C = P_PAD // 128, 128
    KC = 512
    NROWS = (PRE + C - 1) // C
    kept_scr[:, :] = jnp.zeros((2048, 4), F32)
    karea_scr[:, :] = jnp.zeros((2048, 1), F32)

    lane_f = jax.lax.broadcasted_iota(jnp.int32, (1, C), 1).astype(F32)

    def cond(st):
        count, r = st
        return jnp.logical_and(count < POST, r < NROWS)

    def body(st):
        count, r = st
        rx1 = x1[pl.ds(r, 1), :]
        ry1 = y1[pl.ds(r, 1), :]
        rx2 = x2[pl.ds(r, 1), :]
        ry2 = y2[pl.ds(r, 1), :]
        rar = area[pl.ds(r, 1), :]
        rflat = lane_f + (r * 128).astype(F32)

        nchunks = (count + KC - 1) // KC
        def kchunk(c, sup):
            c0 = c * KC
            kx1 = kept_scr[pl.ds(c0, KC), 0:1]
            ky1 = kept_scr[pl.ds(c0, KC), 1:2]
            kx2 = kept_scr[pl.ds(c0, KC), 2:3]
            ky2 = kept_scr[pl.ds(c0, KC), 3:4]
            ka = karea_scr[pl.ds(c0, KC), :]
            xx1 = jnp.maximum(kx1, rx1)
            yy1 = jnp.maximum(ky1, ry1)
            xx2 = jnp.minimum(kx2, rx2)
            yy2 = jnp.minimum(ky2, ry2)
            inter = (jnp.maximum(xx2 - xx1, 0.0)
                     * jnp.maximum(yy2 - yy1, 0.0))
            union = ka + rar - inter
            iou = jnp.where(union > 0.0, inter / union, 0.0)
            hit = jnp.max(jnp.where(iou > THRESH, 1.0, 0.0), axis=0,
                          keepdims=True)
            return jnp.maximum(sup, hit)
        sup0 = jnp.where(rflat >= float(PRE), 1.0, 0.0)
        sup_row = jax.lax.fori_loop(0, nchunks, kchunk, sup0)

        def icond(ist):
            icount, isup, _ = ist
            return jnp.logical_and(
                icount < POST, jnp.min(isup) == 0.0)

        def ibody(ist):
            icount, isup, changed = ist
            pickf = jnp.min(jnp.where(isup == 0.0, rflat, 3.0e7))
            pick = pickf.astype(jnp.int32)
            row4 = prop[pl.ds(pick, 1), :]
            kept_scr[pl.ds(icount, 1), :] = row4
            bx1 = row4[:, 0:1]
            by1 = row4[:, 1:2]
            bx2 = row4[:, 2:3]
            by2 = row4[:, 3:4]
            ba = (jnp.maximum(bx2 - bx1, 0.0)
                  * jnp.maximum(by2 - by1, 0.0))
            karea_scr[pl.ds(icount, 1), :] = ba
            xx1 = jnp.maximum(bx1, rx1)
            yy1 = jnp.maximum(by1, ry1)
            xx2 = jnp.minimum(bx2, rx2)
            yy2 = jnp.minimum(by2, ry2)
            inter = (jnp.maximum(xx2 - xx1, 0.0)
                     * jnp.maximum(yy2 - yy1, 0.0))
            union = ba + rar - inter
            iou = jnp.where(union > 0.0, inter / union, 0.0)
            isup = jnp.where(
                jnp.logical_or(iou > THRESH, rflat == pickf), 1.0, isup)
            return (icount + 1, isup, changed)

        count2, _, _ = jax.lax.while_loop(
            icond, ibody, (count, sup_row, jnp.int32(0)))
        return (count2, r + 1)

    jax.lax.while_loop(cond, body, (jnp.int32(0), jnp.int32(0)))
    rois[:, :] = kept_scr[0:POST, :]


@jax.jit
def kernel(rpn_cls_prob, rpn_bbox_pred, anchors, img_size):
    scores = rpn_cls_prob[..., 1].reshape(-1)
    deltas = rpn_bbox_pred.reshape(-1, 4)

    pad = N_PAD - N_RAW
    s_flat = jnp.concatenate([scores, jnp.full((pad,), -1.0, F32)])
    anch_t = jnp.pad(anchors, ((0, pad), (0, 0))).T
    delt_t = jnp.pad(deltas, ((0, pad), (0, 0))).T
    img = (jnp.asarray(img_size, F32)).reshape(1, 1)

    rank_row, boxes_t = pl.pallas_call(
        _rank_decode_kernel,
        out_shape=(jax.ShapeDtypeStruct((1, N_PAD), jnp.int32),
                   jax.ShapeDtypeStruct((8, N_PAD), F32)),
    )(s_flat.reshape(N_PAD, 1), s_flat.reshape(1, N_PAD), anch_t, delt_t, img)

    rows = jnp.pad(boxes_t.T, ((0, 0), (0, ROW_W - 8)))
    rank1d = rank_row.reshape(N_PAD)

    mesh = plsc.VectorSubcoreMesh(core_axis_name="c", subcore_axis_name="s",
                                  num_cores=SC_NC, num_subcores=SC_NS)
    sorted_rows = pl.kernel(
        _sc_scatter_kernel,
        out_type=jax.ShapeDtypeStruct((N_PAD, ROW_W), F32),
        mesh=mesh,
        scratch_types=[
            pltpu.VMEM((SC_CHUNK,), jnp.int32),
            pltpu.VMEM((SC_CHUNK, ROW_W), F32),
            pltpu.SemaphoreType.DMA,
        ],
    )(rows, rank1d)

    prop = sorted_rows[:P_PAD, :4]
    x1g = sorted_rows[:P_PAD, 0].reshape(P_PAD // 128, 128)
    y1g = sorted_rows[:P_PAD, 1].reshape(P_PAD // 128, 128)
    x2g = sorted_rows[:P_PAD, 2].reshape(P_PAD // 128, 128)
    y2g = sorted_rows[:P_PAD, 3].reshape(P_PAD // 128, 128)
    areag = sorted_rows[:P_PAD, 4].reshape(P_PAD // 128, 128)

    rois = pl.pallas_call(
        _nms_kernel,
        out_shape=jax.ShapeDtypeStruct((POST, 4), F32),
        scratch_shapes=[pltpu.VMEM((2048, 4), F32),
                        pltpu.VMEM((2048, 1), F32),
                        pltpu.SMEM((1, 1), F32)],
    )(x1g, y1g, x2g, y2g, areag, prop)
    return rois

# --- scband reference (transcript-rebuilt; emitter-appended) ---
"""Pipeline reference for scband-proposal-layer-40080634806594 (READ-ONLY COPY).

The authoritative reference and input builder live on the scoring server;
editing this copy changes nothing except your own understanding.
"""

import jax, jax.numpy as jnp
import numpy as np

PRE_NMS_TOP_N = 12000
POST_NMS_TOP_N = 2000
NMS_THRESH = 0.7


def setup_inputs(seed: int = 0) -> dict:
    key = jax.random.key(seed)
    k1, k2, k3, k4 = jax.random.split(key, 4)
    n, h, w, A = 1, 50, 50, 9
    rpn_cls_prob = jax.random.uniform(k1, (n, h, w, A, 2), dtype=jnp.float32)
    rpn_bbox_pred = jax.random.normal(k2, (n, h, w, A, 4), dtype=jnp.float32) * 0.2
    # realistic anchors: top-left corner in [0, 760), width/height in [16, 128)
    xy = jax.random.uniform(k3, (h * w * A, 2), dtype=jnp.float32) * 760.0
    wh = jax.random.uniform(k4, (h * w * A, 2), dtype=jnp.float32) * 112.0 + 16.0
    anchors = jnp.concatenate([xy, xy + wh], axis=1)
    return {"rpn_cls_prob": rpn_cls_prob, "rpn_bbox_pred": rpn_bbox_pred, "anchors": anchors, "img_size": 800}


def delta2bbox(anchors, deltas):
    w = anchors[:, 2] - anchors[:, 0] + 1.0
    h = anchors[:, 3] - anchors[:, 1] + 1.0
    cx = anchors[:, 0] + 0.5 * w
    cy = anchors[:, 1] + 0.5 * h
    dx, dy, dw, dh = deltas[:, 0], deltas[:, 1], deltas[:, 2], deltas[:, 3]
    pcx = dx * w + cx
    pcy = dy * h + cy
    pw = jnp.exp(dw) * w
    ph = jnp.exp(dh) * h
    x1 = pcx - 0.5 * pw
    y1 = pcy - 0.5 * ph
    x2 = pcx + 0.5 * pw - 1.0
    y2 = pcy + 0.5 * ph - 1.0
    return jnp.stack([x1, y1, x2, y2], axis=1)


def clip_to_boundary(boxes, img_size):
    m = jnp.asarray(img_size, dtype=jnp.float32) - 1.0
    x1 = jnp.clip(boxes[:, 0], 0.0, m)
    y1 = jnp.clip(boxes[:, 1], 0.0, m)
    x2 = jnp.clip(boxes[:, 2], 0.0, m)
    y2 = jnp.clip(boxes[:, 3], 0.0, m)
    return jnp.stack([x1, y1, x2, y2], axis=1)


def nms(boxes, scores, max_output, iou_threshold):
    num = boxes.shape[0]
    areas = jnp.maximum(boxes[:, 2] - boxes[:, 0], 0.0) * jnp.maximum(boxes[:, 3] - boxes[:, 1], 0.0)

    def body(i, state):
        suppressed, selected, count = state
        ms = jnp.where(suppressed, -jnp.inf, scores)
        idx = jnp.argmax(ms)
        valid = ms[idx] > -jnp.inf
        b = boxes[idx]
        xx1 = jnp.maximum(b[0], boxes[:, 0])
        yy1 = jnp.maximum(b[1], boxes[:, 1])
        xx2 = jnp.minimum(b[2], boxes[:, 2])
        yy2 = jnp.minimum(b[3], boxes[:, 3])
        inter = jnp.maximum(xx2 - xx1, 0.0) * jnp.maximum(yy2 - yy1, 0.0)
        union = areas[idx] + areas - inter
        ious = jnp.where(union > 0.0, inter / union, 0.0)
        suppressed = suppressed | (valid & (ious > iou_threshold))
        suppressed = suppressed.at[idx].set(True)
        selected = jnp.where(valid, selected.at[count].set(idx.astype(jnp.int32)), selected)
        count = count + valid.astype(jnp.int32)
        return suppressed, selected, count

    init = (jnp.zeros((num,), dtype=bool), jnp.full((max_output,), -1, dtype=jnp.int32), jnp.int32(0))
    _, selected, count = jax.lax.fori_loop(0, max_output, body, init)
    return selected, count


def reference(rpn_cls_prob, rpn_bbox_pred, anchors, img_size):
    scores = rpn_cls_prob[:, :, :, :, 1].reshape(-1)
    deltas = rpn_bbox_pred.reshape(-1, 4)
    pre = min(PRE_NMS_TOP_N, anchors.shape[0])
    scores_sorted, pre_index = jax.lax.top_k(scores, pre)
    anchors_sorted = jnp.take(anchors, pre_index, axis=0)
    deltas_sorted = jnp.take(deltas, pre_index, axis=0)
    proposals = delta2bbox(anchors_sorted, deltas_sorted)
    proposals = clip_to_boundary(proposals, img_size)
    proposals_trans = jnp.stack([proposals[:, 1], proposals[:, 0], proposals[:, 3], proposals[:, 2]], axis=1)
    selected, count = nms(jax.lax.stop_gradient(proposals_trans), jax.lax.stop_gradient(scores_sorted), POST_NMS_TOP_N, NMS_THRESH)
    valid = selected >= 0
    rois = jnp.where(valid[:, None], jnp.take(proposals, jnp.maximum(selected, 0), axis=0), 0.0)
    return rois

if __name__ == "__main__":
    import jax
    _d = setup_inputs()
    print(jax.jit(kernel)(*tuple(_d.values())))

</pallas_src>

<mosaic_0001>
#map = affine_map<(d0, d1) -> (0, 0)>
#map1 = affine_map<(d0, d1) -> (0)>
module attributes {stable_mosaic.version = 14 : i64} {
  func.func @_sc_scatter_kernel(%arg0: i32, %arg1: i32, %arg2: memref<22528x128xf32, #tpu.memory_space<hbm>>, %arg3: memref<22528xi32, #tpu.memory_space<hbm>>, %arg4: memref<22528x128xf32, #tpu.memory_space<hbm>>, %arg5: memref<88xi32, #tpu.memory_space<vmem>>, %arg6: memref<88x128xf32, #tpu.memory_space<vmem>>, %arg7: memref<!tpu.dma_semaphore, #tpu.memory_space<semaphore_mem>>) attributes {dimension_semantics = [#tpu.dimension_semantics<core_parallel>, #tpu.dimension_semantics<subcore_parallel>], iteration_bounds = array<i64: 2, 16>, scalar_prefetch = 0 : i64, scratch_operands = 3 : i64, tpu.core_type = #tpu.core_type<sc_vector_subcore>, window_params = [{transform_indices = #map}, {transform_indices = #map1}, {transform_indices = #map}]} {
    %mul3A = arith.constant 2 : i32
    %mul3A_0 = arith.muli %arg1, %mul3A : i32
    %add3A = arith.addi %mul3A_0, %arg0 : i32
    %mul3A_1 = arith.constant 704 : i32
    %mul3A_2 = arith.muli %add3A, %mul3A_1 : i32
    %add3A_3 = arith.constant 0 : i32
    %add3A_4 = arith.addi %mul3A_2, %add3A_3 : i32
    "tpu.region"() ({
      %run_scoped3A = tpu.sem_alloc : memref<!tpu.dma_semaphore, #tpu.memory_space<semaphore_mem>>
      %dma_start3A_65 = tpu.memref_slice %arg3[%add3A_4] : memref<22528xi32, #tpu.memory_space<hbm>> -> memref<88xi32, #tpu.memory_space<hbm>>
      %dma_start3A_66 = tpu.memref_slice %arg3[%add3A_4] : memref<22528xi32, #tpu.memory_space<hbm>> -> memref<88xi32, #tpu.memory_space<hbm>>
      tpu.enqueue_dma source(%dma_start3A_66 : memref<88xi32, #tpu.memory_space<hbm>>) target(%arg5 : memref<88xi32, #tpu.memory_space<vmem>>) target_semaphore(%run_scoped3A : memref<!tpu.dma_semaphore, #tpu.memory_space<semaphore_mem>>)
      %dma_wait3A_67 = tpu.memref_slice %arg3[%add3A_4] : memref<22528xi32, #tpu.memory_space<hbm>> -> memref<88xi32, #tpu.memory_space<hbm>>
      %dma_wait3A_68 = tpu.memref_slice %arg3[%add3A_4] : memref<22528xi32, #tpu.memory_space<hbm>> -> memref<88xi32, #tpu.memory_space<hbm>>
      tpu.wait_dma2 semaphore(%run_scoped3A : memref<!tpu.dma_semaphore, #tpu.memory_space<semaphore_mem>>) src(%dma_wait3A_68 : memref<88xi32, #tpu.memory_space<hbm>>) dst(%arg5 : memref<88xi32, #tpu.memory_space<vmem>>)
      tpu.yield
    }) : () -> ()
    "tpu.region"() ({
      %run_scoped3A = tpu.sem_alloc : memref<!tpu.dma_semaphore, #tpu.memory_space<semaphore_mem>>
      %dma_start3A_65 = arith.constant 0 : i32
      %dma_start3A_66 = tpu.memref_slice %arg2[%add3A_4, %dma_start3A_65] : memref<22528x128xf32, #tpu.memory_space<hbm>> -> memref<88x128xf32, #tpu.memory_space<hbm>>
      %dma_start3A_67 = arith.constant 0 : i32
      %dma_start3A_68 = tpu.memref_slice %arg2[%add3A_4, %dma_start3A_67] : memref<22528x128xf32, #tpu.memory_space<hbm>> -> memref<88x128xf32, #tpu.memory_space<hbm>>
      tpu.enqueue_dma source(%dma_start3A_68 : memref<88x128xf32, #tpu.memory_space<hbm>>) target(%arg6 : memref<88x128xf32, #tpu.memory_space<vmem>>) target_semaphore(%run_scoped3A : memref<!tpu.dma_semaphore, #tpu.memory_space<semaphore_mem>>)
      %dma_wait3A_69 = arith.constant 0 : i32
      %dma_wait3A_70 = tpu.memref_slice %arg2[%add3A_4, %dma_wait3A_69] : memref<22528x128xf32, #tpu.memory_space<hbm>> -> memref<88x128xf32, #tpu.memory_space<hbm>>
      %dma_wait3A_71 = arith.constant 0 : i32
      %dma_wait3A_72 = tpu.memref_slice %arg2[%add3A_4, %dma_wait3A_71] : memref<22528x128xf32, #tpu.memory_space<hbm>> -> memref<88x128xf32, #tpu.memory_space<hbm>>
      tpu.wait_dma2 semaphore(%run_scoped3A : memref<!tpu.dma_semaphore, #tpu.memory_space<semaphore_mem>>) src(%dma_wait3A_72 : memref<88x128xf32, #tpu.memory_space<hbm>>) dst(%arg6 : memref<88x128xf32, #tpu.memory_space<vmem>>)
      tpu.yield
    }) : () -> ()
    %dma_start3A = arith.constant 0 : i32
    %dma_start3A_5 = arith.constant 0 : i32
    %dma_start3A_6 = tpu.memref_slice %arg4[%dma_start3A, %dma_start3A_5] : memref<22528x128xf32, #tpu.memory_space<hbm>> -> memref<22528x128xf32, #tpu.memory_space<hbm>>
    tpu.enqueue_indirect_dma source(%arg6 : memref<88x128xf32, #tpu.memory_space<vmem>>) target(%dma_start3A_6 : memref<22528x128xf32, #tpu.memory_space<hbm>>) offsets(%arg5 : memref<88xi32, #tpu.memory_space<vmem>>) semaphore(%arg7 : memref<!tpu.dma_semaphore, #tpu.memory_space<semaphore_mem>>)
    %dma_wait3A = arith.constant 0 : i32
    %dma_wait3A_7 = arith.constant 0 : i32
    %dma_wait3A_8 = tpu.memref_slice %arg4[%dma_wait3A, %dma_wait3A_7] : memref<22528x128xf32, #tpu.memory_space<hbm>> -> memref<22528x128xf32, #tpu.memory_space<hbm>>
    tpu.wait_indirect_dma semaphore(%arg7 : memref<!tpu.dma_semaphore, #tpu.memory_space<semaphore_mem>>) src(%arg6 : memref<88x128xf32, #tpu.memory_space<vmem>>) dst(%dma_wait3A_8 : memref<22528x128xf32, #tpu.memory_space<hbm>>)
    %add3A_9 = arith.constant 88 : i32
    %add3A_10 = arith.addi %mul3A_2, %add3A_9 : i32
    "tpu.region"() ({
      %run_scoped3A = tpu.sem_alloc : memref<!tpu.dma_semaphore, #tpu.memory_space<semaphore_mem>>
      %dma_start3A_65 = tpu.memref_slice %arg3[%add3A_10] : memref<22528xi32, #tpu.memory_space<hbm>> -> memref<88xi32, #tpu.memory_space<hbm>>
      %dma_start3A_66 = tpu.memref_slice %arg3[%add3A_10] : memref<22528xi32, #tpu.memory_space<hbm>> -> memref<88xi32, #tpu.memory_space<hbm>>
      tpu.enqueue_dma source(%dma_start3A_66 : memref<88xi32, #tpu.memory_space<hbm>>) target(%arg5 : memref<88xi32, #tpu.memory_space<vmem>>) target_semaphore(%run_scoped3A : memref<!tpu.dma_semaphore, #tpu.memory_space<semaphore_mem>>)
      %dma_wait3A_67 = tpu.memref_slice %arg3[%add3A_10] : memref<22528xi32, #tpu.memory_space<hbm>> -> memref<88xi32, #tpu.memory_space<hbm>>
      %dma_wait3A_68 = tpu.memref_slice %arg3[%add3A_10] : memref<22528xi32, #tpu.memory_space<hbm>> -> memref<88xi32, #tpu.memory_space<hbm>>
      tpu.wait_dma2 semaphore(%run_scoped3A : memref<!tpu.dma_semaphore, #tpu.memory_space<semaphore_mem>>) src(%dma_wait3A_68 : memref<88xi32, #tpu.memory_space<hbm>>) dst(%arg5 : memref<88xi32, #tpu.memory_space<vmem>>)
      tpu.yield
    }) : () -> ()
    "tpu.region"() ({
      %run_scoped3A = tpu.sem_alloc : memref<!tpu.dma_semaphore, #tpu.memory_space<semaphore_mem>>
      %dma_start3A_65 = arith.constant 0 : i32
      %dma_start3A_66 = tpu.memref_slice %arg2[%add3A_10, %dma_start3A_65] : memref<22528x128xf32, #tpu.memory_space<hbm>> -> memref<88x128xf32, #tpu.memory_space<hbm>>
      %dma_start3A_67 = arith.constant 0 : i32
      %dma_start3A_68 = tpu.memref_slice %arg2[%add3A_10, %dma_start3A_67] : memref<22528x128xf32, #tpu.memory_space<hbm>> -> memref<88x128xf32, #tpu.memory_space<hbm>>
      tpu.enqueue_dma source(%dma_start3A_68 : memref<88x128xf32, #tpu.memory_space<hbm>>) target(%arg6 : memref<88x128xf32, #tpu.memory_space<vmem>>) target_semaphore(%run_scoped3A : memref<!tpu.dma_semaphore, #tpu.memory_space<semaphore_mem>>)
      %dma_wait3A_69 = arith.constant 0 : i32
      %dma_wait3A_70 = tpu.memref_slice %arg2[%add3A_10, %dma_wait3A_69] : memref<22528x128xf32, #tpu.memory_space<hbm>> -> memref<88x128xf32, #tpu.memory_space<hbm>>
      %dma_wait3A_71 = arith.constant 0 : i32
      %dma_wait3A_72 = tpu.memref_slice %arg2[%add3A_10, %dma_wait3A_71] : memref<22528x128xf32, #tpu.memory_space<hbm>> -> memref<88x128xf32, #tpu.memory_space<hbm>>
      tpu.wait_dma2 semaphore(%run_scoped3A : memref<!tpu.dma_semaphore, #tpu.memory_space<semaphore_mem>>) src(%dma_wait3A_72 : memref<88x128xf32, #tpu.memory_space<hbm>>) dst(%arg6 : memref<88x128xf32, #tpu.memory_space<vmem>>)
      tpu.yield
    }) : () -> ()
    %dma_start3A_11 = arith.constant 0 : i32
    %dma_start3A_12 = arith.constant 0 : i32
    %dma_start3A_13 = tpu.memref_slice %arg4[%dma_start3A_11, %dma_start3A_12] : memref<22528x128xf32, #tpu.memory_space<hbm>> -> memref<22528x128xf32, #tpu.memory_space<hbm>>
    tpu.enqueue_indirect_dma source(%arg6 : memref<88x128xf32, #tpu.memory_space<vmem>>) target(%dma_start3A_13 : memref<22528x128xf32, #tpu.memory_space<hbm>>) offsets(%arg5 : memref<88xi32, #tpu.memory_space<vmem>>) semaphore(%arg7 : memref<!tpu.dma_semaphore, #tpu.memory_space<semaphore_mem>>)
    %dma_wait3A_14 = arith.constant 0 : i32
    %dma_wait3A_15 = arith.constant 0 : i32
    %dma_wait3A_16 = tpu.memref_slice %arg4[%dma_wait3A_14, %dma_wait3A_15] : memref<22528x128xf32, #tpu.memory_space<hbm>> -> memref<22528x128xf32, #tpu.memory_space<hbm>>
    tpu.wait_indirect_dma semaphore(%arg7 : memref<!tpu.dma_semaphore, #tpu.memory_space<semaphore_mem>>) src(%arg6 : memref<88x128xf32, #tpu.memory_space<vmem>>) dst(%dma_wait3A_16 : memref<22528x128xf32, #tpu.memory_space<hbm>>)
    %add3A_17 = arith.constant 176 : i32
    %add3A_18 = arith.addi %mul3A_2, %add3A_17 : i32
    "tpu.region"() ({
      %run_scoped3A = tpu.sem_alloc : memref<!tpu.dma_semaphore, #tpu.memory_space<semaphore_mem>>
      %dma_start3A_65 = tpu.memref_slice %arg3[%add3A_18] : memref<22528xi32, #tpu.memory_space<hbm>> -> memref<88xi32, #tpu.memory_space<hbm>>
      %dma_start3A_66 = tpu.memref_slice %arg3[%add3A_18] : memref<22528xi32, #tpu.memory_space<hbm>> -> memref<88xi32, #tpu.memory_space<hbm>>
      tpu.enqueue_dma source(%dma_start3A_66 : memref<88xi32, #tpu.memory_space<hbm>>) target(%arg5 : memref<88xi32, #tpu.memory_space<vmem>>) target_semaphore(%run_scoped3A : memref<!tpu.dma_semaphore, #tpu.memory_space<semaphore_mem>>)
      %dma_wait3A_67 = tpu.memref_slice %arg3[%add3A_18] : memref<22528xi32, #tpu.memory_space<hbm>> -> memref<88xi32, #tpu.memory_space<hbm>>
      %dma_wait3A_68 = tpu.memref_slice %arg3[%add3A_18] : memref<22528xi32, #tpu.memory_space<hbm>> -> memref<88xi32, #tpu.memory_space<hbm>>
      tpu.wait_dma2 semaphore(%run_scoped3A : memref<!tpu.dma_semaphore, #tpu.memory_space<semaphore_mem>>) src(%dma_wait3A_68 : memref<88xi32, #tpu.memory_space<hbm>>) dst(%arg5 : memref<88xi32, #tpu.memory_space<vmem>>)
      tpu.yield
    }) : () -> ()
    "tpu.region"() ({
      %run_scoped3A = tpu.sem_alloc : memref<!tpu.dma_semaphore, #tpu.memory_space<semaphore_mem>>
      %dma_start3A_65 = arith.constant 0 : i32
      %dma_start3A_66 = tpu.memref_slice %arg2[%add3A_18, %dma_start3A_65] : memref<22528x128xf32, #tpu.memory_space<hbm>> -> memref<88x128xf32, #tpu.memory_space<hbm>>
      %dma_start3A_67 = arith.constant 0 : i32
      %dma_start3A_68 = tpu.memref_slice %arg2[%add3A_18, %dma_start3A_67] : memref<22528x128xf32, #tpu.memory_space<hbm>> -> memref<88x128xf32, #tpu.memory_space<hbm>>
      tpu.enqueue_dma source(%dma_start3A_68 : memref<88x128xf32, #tpu.memory_space<hbm>>) target(%arg6 : memref<88x128xf32, #tpu.memory_space<vmem>>) target_semaphore(%run_scoped3A : memref<!tpu.dma_semaphore, #tpu.memory_space<semaphore_mem>>)
      %dma_wait3A_69 = arith.constant 0 : i32
      %dma_wait3A_70 = tpu.memref_slice %arg2[%add3A_18, %dma_wait3A_69] : memref<22528x128xf32, #tpu.memory_space<hbm>> -> memref<88x128xf32, #tpu.memory_space<hbm>>
      %dma_wait3A_71 = arith.constant 0 : i32
      %dma_wait3A_72 = tpu.memref_slice %arg2[%add3A_18, %dma_wait3A_71] : memref<22528x128xf32, #tpu.memory_space<hbm>> -> memref<88x128xf32, #tpu.memory_space<hbm>>
      tpu.wait_dma2 semaphore(%run_scoped3A : memref<!tpu.dma_semaphore, #tpu.memory_space<semaphore_mem>>) src(%dma_wait3A_72 : memref<88x128xf32, #tpu.memory_space<hbm>>) dst(%arg6 : memref<88x128xf32, #tpu.memory_space<vmem>>)
      tpu.yield
    }) : () -> ()
    %dma_start3A_19 = arith.constant 0 : i32
    %dma_start3A_20 = arith.constant 0 : i32
    %dma_start3A_21 = tpu.memref_slice %arg4[%dma_start3A_19, %dma_start3A_20] : memref<22528x128xf32, #tpu.memory_space<hbm>> -> memref<22528x128xf32, #tpu.memory_space<hbm>>
    tpu.enqueue_indirect_dma source(%arg6 : memref<88x128xf32, #tpu.memory_space<vmem>>) target(%dma_start3A_21 : memref<22528x128xf32, #tpu.memory_space<hbm>>) offsets(%arg5 : memref<88xi32, #tpu.memory_space<vmem>>) semaphore(%arg7 : memref<!tpu.dma_semaphore, #tpu.memory_space<semaphore_mem>>)
    %dma_wait3A_22 = arith.constant 0 : i32
    %dma_wait3A_23 = arith.constant 0 : i32
    %dma_wait3A_24 = tpu.memref_slice %arg4[%dma_wait3A_22, %dma_wait3A_23] : memref<22528x128xf32, #tpu.memory_space<hbm>> -> memref<22528x128xf32, #tpu.memory_space<hbm>>
    tpu.wait_indirect_dma semaphore(%arg7 : memref<!tpu.dma_semaphore, #tpu.memory_space<semaphore_mem>>) src(%arg6 : memref<88x128xf32, #tpu.memory_space<vmem>>) dst(%dma_wait3A_24 : memref<22528x128xf32, #tpu.memory_space<hbm>>)
    %add3A_25 = arith.constant 264 : i32
    %add3A_26 = arith.addi %mul3A_2, %add3A_25 : i32
    "tpu.region"() ({
      %run_scoped3A = tpu.sem_alloc : memref<!tpu.dma_semaphore, #tpu.memory_space<semaphore_mem>>
      %dma_start3A_65 = tpu.memref_slice %arg3[%add3A_26] : memref<22528xi32, #tpu.memory_space<hbm>> -> memref<88xi32, #tpu.memory_space<hbm>>
      %dma_start3A_66 = tpu.memref_slice %arg3[%add3A_26] : memref<22528xi32, #tpu.memory_space<hbm>> -> memref<88xi32, #tpu.memory_space<hbm>>
      tpu.enqueue_dma source(%dma_start3A_66 : memref<88xi32, #tpu.memory_space<hbm>>) target(%arg5 : memref<88xi32, #tpu.memory_space<vmem>>) target_semaphore(%run_scoped3A : memref<!tpu.dma_semaphore, #tpu.memory_space<semaphore_mem>>)
      %dma_wait3A_67 = tpu.memref_slice %arg3[%add3A_26] : memref<22528xi32, #tpu.memory_space<hbm>> -> memref<88xi32, #tpu.memory_space<hbm>>
      %dma_wait3A_68 = tpu.memref_slice %arg3[%add3A_26] : memref<22528xi32, #tpu.memory_space<hbm>> -> memref<88xi32, #tpu.memory_space<hbm>>
      tpu.wait_dma2 semaphore(%run_scoped3A : memref<!tpu.dma_semaphore, #tpu.memory_space<semaphore_mem>>) src(%dma_wait3A_68 : memref<88xi32, #tpu.memory_space<hbm>>) dst(%arg5 : memref<88xi32, #tpu.memory_space<vmem>>)
      tpu.yield
    }) : () -> ()
    "tpu.region"() ({
      %run_scoped3A = tpu.sem_alloc : memref<!tpu.dma_semaphore, #tpu.memory_space<semaphore_mem>>
      %dma_start3A_65 = arith.constant 0 : i32
      %dma_start3A_66 = tpu.memref_slice %arg2[%add3A_26, %dma_start3A_65] : memref<22528x128xf32, #tpu.memory_space<hbm>> -> memref<88x128xf32, #tpu.memory_space<hbm>>
      %dma_start3A_67 = arith.constant 0 : i32
      %dma_start3A_68 = tpu.memref_slice %arg2[%add3A_26, %dma_start3A_67] : memref<22528x128xf32, #tpu.memory_space<hbm>> -> memref<88x128xf32, #tpu.memory_space<hbm>>
      tpu.enqueue_dma source(%dma_start3A_68 : memref<88x128xf32, #tpu.memory_space<hbm>>) target(%arg6 : memref<88x128xf32, #tpu.memory_space<vmem>>) target_semaphore(%run_scoped3A : memref<!tpu.dma_semaphore, #tpu.memory_space<semaphore_mem>>)
      %dma_wait3A_69 = arith.constant 0 : i32
      %dma_wait3A_70 = tpu.memref_slice %arg2[%add3A_26, %dma_wait3A_69] : memref<22528x128xf32, #tpu.memory_space<hbm>> -> memref<88x128xf32, #tpu.memory_space<hbm>>
      %dma_wait3A_71 = arith.constant 0 : i32
      %dma_wait3A_72 = tpu.memref_slice %arg2[%add3A_26, %dma_wait3A_71] : memref<22528x128xf32, #tpu.memory_space<hbm>> -> memref<88x128xf32, #tpu.memory_space<hbm>>
      tpu.wait_dma2 semaphore(%run_scoped3A : memref<!tpu.dma_semaphore, #tpu.memory_space<semaphore_mem>>) src(%dma_wait3A_72 : memref<88x128xf32, #tpu.memory_space<hbm>>) dst(%arg6 : memref<88x128xf32, #tpu.memory_space<vmem>>)
      tpu.yield
    }) : () -> ()
    %dma_start3A_27 = arith.constant 0 : i32
    %dma_start3A_28 = arith.constant 0 : i32
    %dma_start3A_29 = tpu.memref_slice %arg4[%dma_start3A_27, %dma_start3A_28] : memref<22528x128xf32, #tpu.memory_space<hbm>> -> memref<22528x128xf32, #tpu.memory_space<hbm>>
    tpu.enqueue_indirect_dma source(%arg6 : memref<88x128xf32, #tpu.memory_space<vmem>>) target(%dma_start3A_29 : memref<22528x128xf32, #tpu.memory_space<hbm>>) offsets(%arg5 : memref<88xi32, #tpu.memory_space<vmem>>) semaphore(%arg7 : memref<!tpu.dma_semaphore, #tpu.memory_space<semaphore_mem>>)
    %dma_wait3A_30 = arith.constant 0 : i32
    %dma_wait3A_31 = arith.constant 0 : i32
    %dma_wait3A_32 = tpu.memref_slice %arg4[%dma_wait3A_30, %dma_wait3A_31] : memref<22528x128xf32, #tpu.memory_space<hbm>> -> memref<22528x128xf32, #tpu.memory_space<hbm>>
    tpu.wait_indirect_dma semaphore(%arg7 : memref<!tpu.dma_semaphore, #tpu.memory_space<semaphore_mem>>) src(%arg6 : memref<88x128xf32, #tpu.memory_space<vmem>>) dst(%dma_wait3A_32 : memref<22528x128xf32, #tpu.memory_space<hbm>>)
    %add3A_33 = arith.constant 352 : i32
    %add3A_34 = arith.addi %mul3A_2, %add3A_33 : i32
    "tpu.region"() ({
      %run_scoped3A = tpu.sem_alloc : memref<!tpu.dma_semaphore, #tpu.memory_space<semaphore_mem>>
      %dma_start3A_65 = tpu.memref_slice %arg3[%add3A_34] : memref<22528xi32, #tpu.memory_space<hbm>> -> memref<88xi32, #tpu.memory_space<hbm>>
      %dma_start3A_66 = tpu.memref_slice %arg3[%add3A_34] : memref<22528xi32, #tpu.memory_space<hbm>> -> memref<88xi32, #tpu.memory_space<hbm>>
      tpu.enqueue_dma source(%dma_start3A_66 : memref<88xi32, #tpu.memory_space<hbm>>) target(%arg5 : memref<88xi32, #tpu.memory_space<vmem>>) target_semaphore(%run_scoped3A : memref<!tpu.dma_semaphore, #tpu.memory_space<semaphore_mem>>)
      %dma_wait3A_67 = tpu.memref_slice %arg3[%add3A_34] : memref<22528xi32, #tpu.memory_space<hbm>> -> memref<88xi32, #tpu.memory_space<hbm>>
      %dma_wait3A_68 = tpu.memref_slice %arg3[%add3A_34] : memref<22528xi32, #tpu.memory_space<hbm>> -> memref<88xi32, #tpu.memory_space<hbm>>
      tpu.wait_dma2 semaphore(%run_scoped3A : memref<!tpu.dma_semaphore, #tpu.memory_space<semaphore_mem>>) src(%dma_wait3A_68 : memref<88xi32, #tpu.memory_space<hbm>>) dst(%arg5 : memref<88xi32, #tpu.memory_space<vmem>>)
      tpu.yield
    }) : () -> ()
    "tpu.region"() ({
      %run_scoped3A = tpu.sem_alloc : memref<!tpu.dma_semaphore, #tpu.memory_space<semaphore_mem>>
      %dma_start3A_65 = arith.constant 0 : i32
      %dma_start3A_66 = tpu.memref_slice %arg2[%add3A_34, %dma_start3A_65] : memref<22528x128xf32, #tpu.memory_space<hbm>> -> memref<88x128xf32, #tpu.memory_space<hbm>>
      %dma_start3A_67 = arith.constant 0 : i32
      %dma_start3A_68 = tpu.memref_slice %arg2[%add3A_34, %dma_start3A_67] : memref<22528x128xf32, #tpu.memory_space<hbm>> -> memref<88x128xf32, #tpu.memory_space<hbm>>
      tpu.enqueue_dma source(%dma_start3A_68 : memref<88x128xf32, #tpu.memory_space<hbm>>) target(%arg6 : memref<88x128xf32, #tpu.memory_space<vmem>>) target_semaphore(%run_scoped3A : memref<!tpu.dma_semaphore, #tpu.memory_space<semaphore_mem>>)
      %dma_wait3A_69 = arith.constant 0 : i32
      %dma_wait3A_70 = tpu.memref_slice %arg2[%add3A_34, %dma_wait3A_69] : memref<22528x128xf32, #tpu.memory_space<hbm>> -> memref<88x128xf32, #tpu.memory_space<hbm>>
      %dma_wait3A_71 = arith.constant 0 : i32
      %dma_wait3A_72 = tpu.memref_slice %arg2[%add3A_34, %dma_wait3A_71] : memref<22528x128xf32, #tpu.memory_space<hbm>> -> memref<88x128xf32, #tpu.memory_space<hbm>>
      tpu.wait_dma2 semaphore(%run_scoped3A : memref<!tpu.dma_semaphore, #tpu.memory_space<semaphore_mem>>) src(%dma_wait3A_72 : memref<88x128xf32, #tpu.memory_space<hbm>>) dst(%arg6 : memref<88x128xf32, #tpu.memory_space<vmem>>)
      tpu.yield
    }) : () -> ()
    %dma_start3A_35 = arith.constant 0 : i32
    %dma_start3A_36 = arith.constant 0 : i32
    %dma_start3A_37 = tpu.memref_slice %arg4[%dma_start3A_35, %dma_start3A_36] : memref<22528x128xf32, #tpu.memory_space<hbm>> -> memref<22528x128xf32, #tpu.memory_space<hbm>>
    tpu.enqueue_indirect_dma source(%arg6 : memref<88x128xf32, #tpu.memory_space<vmem>>) target(%dma_start3A_37 : memref<22528x128xf32, #tpu.memory_space<hbm>>) offsets(%arg5 : memref<88xi32, #tpu.memory_space<vmem>>) semaphore(%arg7 : memref<!tpu.dma_semaphore, #tpu.memory_space<semaphore_mem>>)
    %dma_wait3A_38 = arith.constant 0 : i32
    %dma_wait3A_39 = arith.constant 0 : i32
    %dma_wait3A_40 = tpu.memref_slice %arg4[%dma_wait3A_38, %dma_wait3A_39] : memref<22528x128xf32, #tpu.memory_space<hbm>> -> memref<22528x128xf32, #tpu.memory_space<hbm>>
    tpu.wait_indirect_dma semaphore(%arg7 : memref<!tpu.dma_semaphore, #tpu.memory_space<semaphore_mem>>) src(%arg6 : memref<88x128xf32, #tpu.memory_space<vmem>>) dst(%dma_wait3A_40 : memref<22528x128xf32, #tpu.memory_space<hbm>>)
    %add3A_41 = arith.constant 440 : i32
    %add3A_42 = arith.addi %mul3A_2, %add3A_41 : i32
    "tpu.region"() ({
      %run_scoped3A = tpu.sem_alloc : memref<!tpu.dma_semaphore, #tpu.memory_space<semaphore_mem>>
      %dma_start3A_65 = tpu.memref_slice %arg3[%add3A_42] : memref<22528xi32, #tpu.memory_space<hbm>> -> memref<88xi32, #tpu.memory_space<hbm>>
      %dma_start3A_66 = tpu.memref_slice %arg3[%add3A_42] : memref<22528xi32, #tpu.memory_space<hbm>> -> memref<88xi32, #tpu.memory_space<hbm>>
      tpu.enqueue_dma source(%dma_start3A_66 : memref<88xi32, #tpu.memory_space<hbm>>) target(%arg5 : memref<88xi32, #tpu.memory_space<vmem>>) target_semaphore(%run_scoped3A : memref<!tpu.dma_semaphore, #tpu.memory_space<semaphore_mem>>)
      %dma_wait3A_67 = tpu.memref_slice %arg3[%add3A_42] : memref<22528xi32, #tpu.memory_space<hbm>> -> memref<88xi32, #tpu.memory_space<hbm>>
      %dma_wait3A_68 = tpu.memref_slice %arg3[%add3A_42] : memref<22528xi32, #tpu.memory_space<hbm>> -> memref<88xi32, #tpu.memory_space<hbm>>
      tpu.wait_dma2 semaphore(%run_scoped3A : memref<!tpu.dma_semaphore, #tpu.memory_space<semaphore_mem>>) src(%dma_wait3A_68 : memref<88xi32, #tpu.memory_space<hbm>>) dst(%arg5 : memref<88xi32, #tpu.memory_space<vmem>>)
      tpu.yield
    }) : () -> ()
    "tpu.region"() ({
      %run_scoped3A = tpu.sem_alloc : memref<!tpu.dma_semaphore, #tpu.memory_space<semaphore_mem>>
      %dma_start3A_65 = arith.constant 0 : i32
      %dma_start3A_66 = tpu.memref_slice %arg2[%add3A_42, %dma_start3A_65] : memref<22528x128xf32, #tpu.memory_space<hbm>> -> memref<88x128xf32, #tpu.memory_space<hbm>>
      %dma_start3A_67 = arith.constant 0 : i32
      %dma_start3A_68 = tpu.memref_slice %arg2[%add3A_42, %dma_start3A_67] : memref<22528x128xf32, #tpu.memory_space<hbm>> -> memref<88x128xf32, #tpu.memory_space<hbm>>
      tpu.enqueue_dma source(%dma_start3A_68 : memref<88x128xf32, #tpu.memory_space<hbm>>) target(%arg6 : memref<88x128xf32, #tpu.memory_space<vmem>>) target_semaphore(%run_scoped3A : memref<!tpu.dma_semaphore, #tpu.memory_space<semaphore_mem>>)
      %dma_wait3A_69 = arith.constant 0 : i32
      %dma_wait3A_70 = tpu.memref_slice %arg2[%add3A_42, %dma_wait3A_69] : memref<22528x128xf32, #tpu.memory_space<hbm>> -> memref<88x128xf32, #tpu.memory_space<hbm>>
      %dma_wait3A_71 = arith.constant 0 : i32
      %dma_wait3A_72 = tpu.memref_slice %arg2[%add3A_42, %dma_wait3A_71] : memref<22528x128xf32, #tpu.memory_space<hbm>> -> memref<88x128xf32, #tpu.memory_space<hbm>>
      tpu.wait_dma2 semaphore(%run_scoped3A : memref<!tpu.dma_semaphore, #tpu.memory_space<semaphore_mem>>) src(%dma_wait3A_72 : memref<88x128xf32, #tpu.memory_space<hbm>>) dst(%arg6 : memref<88x128xf32, #tpu.memory_space<vmem>>)
      tpu.yield
    }) : () -> ()
    %dma_start3A_43 = arith.constant 0 : i32
    %dma_start3A_44 = arith.constant 0 : i32
    %dma_start3A_45 = tpu.memref_slice %arg4[%dma_start3A_43, %dma_start3A_44] : memref<22528x128xf32, #tpu.memory_space<hbm>> -> memref<22528x128xf32, #tpu.memory_space<hbm>>
    tpu.enqueue_indirect_dma source(%arg6 : memref<88x128xf32, #tpu.memory_space<vmem>>) target(%dma_start3A_45 : memref<22528x128xf32, #tpu.memory_space<hbm>>) offsets(%arg5 : memref<88xi32, #tpu.memory_space<vmem>>) semaphore(%arg7 : memref<!tpu.dma_semaphore, #tpu.memory_space<semaphore_mem>>)
    %dma_wait3A_46 = arith.constant 0 : i32
    %dma_wait3A_47 = arith.constant 0 : i32
    %dma_wait3A_48 = tpu.memref_slice %arg4[%dma_wait3A_46, %dma_wait3A_47] : memref<22528x128xf32, #tpu.memory_space<hbm>> -> memref<22528x128xf32, #tpu.memory_space<hbm>>
    tpu.wait_indirect_dma semaphore(%arg7 : memref<!tpu.dma_semaphore, #tpu.memory_space<semaphore_mem>>) src(%arg6 : memref<88x128xf32, #tpu.memory_space<vmem>>) dst(%dma_wait3A_48 : memref<22528x128xf32, #tpu.memory_space<hbm>>)
    %add3A_49 = arith.constant 528 : i32
    %add3A_50 = arith.addi %mul3A_2, %add3A_49 : i32
    "tpu.region"() ({
      %run_scoped3A = tpu.sem_alloc : memref<!tpu.dma_semaphore, #tpu.memory_space<semaphore_mem>>
      %dma_start3A_65 = tpu.memref_slice %arg3[%add3A_50] : memref<22528xi32, #tpu.memory_space<hbm>> -> memref<88xi32, #tpu.memory_space<hbm>>
      %dma_start3A_66 = tpu.memref_slice %arg3[%add3A_50] : memref<22528xi32, #tpu.memory_space<hbm>> -> memref<88xi32, #tpu.memory_space<hbm>>
      tpu.enqueue_dma source(%dma_start3A_66 : memref<88xi32, #tpu.memory_space<hbm>>) target(%arg5 : memref<88xi32, #tpu.memory_space<vmem>>) target_semaphore(%run_scoped3A : memref<!tpu.dma_semaphore, #tpu.memory_space<semaphore_mem>>)
      %dma_wait3A_67 = tpu.memref_slice %arg3[%add3A_50] : memref<22528xi32, #tpu.memory_space<hbm>> -> memref<88xi32, #tpu.memory_space<hbm>>
      %dma_wait3A_68 = tpu.memref_slice %arg3[%add3A_50] : memref<22528xi32, #tpu.memory_space<hbm>> -> memref<88xi32, #tpu.memory_space<hbm>>
      tpu.wait_dma2 semaphore(%run_scoped3A : memref<!tpu.dma_semaphore, #tpu.memory_space<semaphore_mem>>) src(%dma_wait3A_68 : memref<88xi32, #tpu.memory_space<hbm>>) dst(%arg5 : memref<88xi32, #tpu.memory_space<vmem>>)
      tpu.yield
    }) : () -> ()
    "tpu.region"() ({
      %run_scoped3A = tpu.sem_alloc : memref<!tpu.dma_semaphore, #tpu.memory_space<semaphore_mem>>
      %dma_start3A_65 = arith.constant 0 : i32
      %dma_start3A_66 = tpu.memref_slice %arg2[%add3A_50, %dma_start3A_65] : memref<22528x128xf32, #tpu.memory_space<hbm>> -> memref<88x128xf32, #tpu.memory_space<hbm>>
      %dma_start3A_67 = arith.constant 0 : i32
      %dma_start3A_68 = tpu.memref_slice %arg2[%add3A_50, %dma_start3A_67] : memref<22528x128xf32, #tpu.memory_space<hbm>> -> memref<88x128xf32, #tpu.memory_space<hbm>>
      tpu.enqueue_dma source(%dma_start3A_68 : memref<88x128xf32, #tpu.memory_space<hbm>>) target(%arg6 : memref<88x128xf32, #tpu.memory_space<vmem>>) target_semaphore(%run_scoped3A : memref<!tpu.dma_semaphore, #tpu.memory_space<semaphore_mem>>)
      %dma_wait3A_69 = arith.constant 0 : i32
      %dma_wait3A_70 = tpu.memref_slice %arg2[%add3A_50, %dma_wait3A_69] : memref<22528x128xf32, #tpu.memory_space<hbm>> -> memref<88x128xf32, #tpu.memory_space<hbm>>
      %dma_wait3A_71 = arith.constant 0 : i32
      %dma_wait3A_72 = tpu.memref_slice %arg2[%add3A_50, %dma_wait3A_71] : memref<22528x128xf32, #tpu.memory_space<hbm>> -> memref<88x128xf32, #tpu.memory_space<hbm>>
      tpu.wait_dma2 semaphore(%run_scoped3A : memref<!tpu.dma_semaphore, #tpu.memory_space<semaphore_mem>>) src(%dma_wait3A_72 : memref<88x128xf32, #tpu.memory_space<hbm>>) dst(%arg6 : memref<88x128xf32, #tpu.memory_space<vmem>>)
      tpu.yield
    }) : () -> ()
    %dma_start3A_51 = arith.constant 0 : i32
    %dma_start3A_52 = arith.constant 0 : i32
    %dma_start3A_53 = tpu.memref_slice %arg4[%dma_start3A_51, %dma_start3A_52] : memref<22528x128xf32, #tpu.memory_space<hbm>> -> memref<22528x128xf32, #tpu.memory_space<hbm>>
    tpu.enqueue_indirect_dma source(%arg6 : memref<88x128xf32, #tpu.memory_space<vmem>>) target(%dma_start3A_53 : memref<22528x128xf32, #tpu.memory_space<hbm>>) offsets(%arg5 : memref<88xi32, #tpu.memory_space<vmem>>) semaphore(%arg7 : memref<!tpu.dma_semaphore, #tpu.memory_space<semaphore_mem>>)
    %dma_wait3A_54 = arith.constant 0 : i32
    %dma_wait3A_55 = arith.constant 0 : i32
    %dma_wait3A_56 = tpu.memref_slice %arg4[%dma_wait3A_54, %dma_wait3A_55] : memref<22528x128xf32, #tpu.memory_space<hbm>> -> memref<22528x128xf32, #tpu.memory_space<hbm>>
    tpu.wait_indirect_dma semaphore(%arg7 : memref<!tpu.dma_semaphore, #tpu.memory_space<semaphore_mem>>) src(%arg6 : memref<88x128xf32, #tpu.memory_space<vmem>>) dst(%dma_wait3A_56 : memref<22528x128xf32, #tpu.memory_space<hbm>>)
    %add3A_57 = arith.constant 616 : i32
    %add3A_58 = arith.addi %mul3A_2, %add3A_57 : i32
    "tpu.region"() ({
      %run_scoped3A = tpu.sem_alloc : memref<!tpu.dma_semaphore, #tpu.memory_space<semaphore_mem>>
      %dma_start3A_65 = tpu.memref_slice %arg3[%add3A_58] : memref<22528xi32, #tpu.memory_space<hbm>> -> memref<88xi32, #tpu.memory_space<hbm>>
      %dma_start3A_66 = tpu.memref_slice %arg3[%add3A_58] : memref<22528xi32, #tpu.memory_space<hbm>> -> memref<88xi32, #tpu.memory_space<hbm>>
      tpu.enqueue_dma source(%dma_start3A_66 : memref<88xi32, #tpu.memory_space<hbm>>) target(%arg5 : memref<88xi32, #tpu.memory_space<vmem>>) target_semaphore(%run_scoped3A : memref<!tpu.dma_semaphore, #tpu.memory_space<semaphore_mem>>)
      %dma_wait3A_67 = tpu.memref_slice %arg3[%add3A_58] : memref<22528xi32, #tpu.memory_space<hbm>> -> memref<88xi32, #tpu.memory_space<hbm>>
      %dma_wait3A_68 = tpu.memref_slice %arg3[%add3A_58] : memref<22528xi32, #tpu.memory_space<hbm>> -> memref<88xi32, #tpu.memory_space<hbm>>
      tpu.wait_dma2 semaphore(%run_scoped3A : memref<!tpu.dma_semaphore, #tpu.memory_space<semaphore_mem>>) src(%dma_wait3A_68 : memref<88xi32, #tpu.memory_space<hbm>>) dst(%arg5 : memref<88xi32, #tpu.memory_space<vmem>>)
      tpu.yield
    }) : () -> ()
    "tpu.region"() ({
      %run_scoped3A = tpu.sem_alloc : memref<!tpu.dma_semaphore, #tpu.memory_space<semaphore_mem>>
      %dma_start3A_65 = arith.constant 0 : i32
      %dma_start3A_66 = tpu.memref_slice %arg2[%add3A_58, %dma_start3A_65] : memref<22528x128xf32, #tpu.memory_space<hbm>> -> memref<88x128xf32, #tpu.memory_space<hbm>>
      %dma_start3A_67 = arith.constant 0 : i32
      %dma_start3A_68 = tpu.memref_slice %arg2[%add3A_58, %dma_start3A_67] : memref<22528x128xf32, #tpu.memory_space<hbm>> -> memref<88x128xf32, #tpu.memory_space<hbm>>
      tpu.enqueue_dma source(%dma_start3A_68 : memref<88x128xf32, #tpu.memory_space<hbm>>) target(%arg6 : memref<88x128xf32, #tpu.memory_space<vmem>>) target_semaphore(%run_scoped3A : memref<!tpu.dma_semaphore, #tpu.memory_space<semaphore_mem>>)
      %dma_wait3A_69 = arith.constant 0 : i32
      %dma_wait3A_70 = tpu.memref_slice %arg2[%add3A_58, %dma_wait3A_69] : memref<22528x128xf32, #tpu.memory_space<hbm>> -> memref<88x128xf32, #tpu.memory_space<hbm>>
      %dma_wait3A_71 = arith.constant 0 : i32
      %dma_wait3A_72 = tpu.memref_slice %arg2[%add3A_58, %dma_wait3A_71] : memref<22528x128xf32, #tpu.memory_space<hbm>> -> memref<88x128xf32, #tpu.memory_space<hbm>>
      tpu.wait_dma2 semaphore(%run_scoped3A : memref<!tpu.dma_semaphore, #tpu.memory_space<semaphore_mem>>) src(%dma_wait3A_72 : memref<88x128xf32, #tpu.memory_space<hbm>>) dst(%arg6 : memref<88x128xf32, #tpu.memory_space<vmem>>)
      tpu.yield
    }) : () -> ()
    %dma_start3A_59 = arith.constant 0 : i32
    %dma_start3A_60 = arith.constant 0 : i32
    %dma_start3A_61 = tpu.memref_slice %arg4[%dma_start3A_59, %dma_start3A_60] : memref<22528x128xf32, #tpu.memory_space<hbm>> -> memref<22528x128xf32, #tpu.memory_space<hbm>>
    tpu.enqueue_indirect_dma source(%arg6 : memref<88x128xf32, #tpu.memory_space<vmem>>) target(%dma_start3A_61 : memref<22528x128xf32, #tpu.memory_space<hbm>>) offsets(%arg5 : memref<88xi32, #tpu.memory_space<vmem>>) semaphore(%arg7 : memref<!tpu.dma_semaphore, #tpu.memory_space<semaphore_mem>>)
    %dma_wait3A_62 = arith.constant 0 : i32
    %dma_wait3A_63 = arith.constant 0 : i32
    %dma_wait3A_64 = tpu.memref_slice %arg4[%dma_wait3A_62, %dma_wait3A_63] : memref<22528x128xf32, #tpu.memory_space<hbm>> -> memref<22528x128xf32, #tpu.memory_space<hbm>>
    tpu.wait_indirect_dma semaphore(%arg7 : memref<!tpu.dma_semaphore, #tpu.memory_space<semaphore_mem>>) src(%arg6 : memref<88x128xf32, #tpu.memory_space<vmem>>) dst(%dma_wait3A_64 : memref<22528x128xf32, #tpu.memory_space<hbm>>)
    return
  }
}

module attributes {stable_mosaic.version = 14 : i64} {
  func.func @_rank_decode_kernel(%arg0: memref<22528x1xf32, #tpu.memory_space<vmem>>, %arg1: memref<1x22528xf32, #tpu.memory_space<vmem>>, %arg2: memref<4x22528xf32, #tpu.memory_space<vmem>>, %arg3: memref<4x22528xf32, #tpu.memory_space<vmem>>, %arg4: memref<1x1xf32, #tpu.memory_space<vmem>>, %arg5: memref<1x22528xi32, #tpu.memory_space<vmem>>, %arg6: memref<8x22528xf32, #tpu.memory_space<vmem>>) attributes {dimension_semantics = [], scalar_prefetch = 0 : i64, scratch_operands = 0 : i64, tpu.core_type = #tpu.core_type<tc>} {
    %scan3A = arith.constant 0 : i32
    %scan3A_0 = arith.constant 22 : i32
    %scan3A_1 = arith.addi %scan3A, %scan3A_0 : i32
    %scan3A_2 = arith.constant 1 : i32
    scf.for %scan3A_119 = %scan3A to %scan3A_1 step %scan3A_2  : i32 {
      %mul3A_120 = arith.constant 1024 : i32
      %mul3A_121 = arith.muli %scan3A_119, %mul3A_120 : i32
      %get3A_122 = arith.constant 0 : index
      %get3A_123 = arith.index_cast %mul3A_121 : i32 to index
      %get3A_124 = vector.load %arg1[%get3A_122, %get3A_123] : memref<1x22528xf32, #tpu.memory_space<vmem>>, vector<1x1024xf32>
      %broadcast_in_dim3A_125 = arith.constant 0.000000e+00 : f32
      %broadcast_in_dim3A_126 = vector.broadcast %broadcast_in_dim3A_125 : f32 to vector<1x1024xf32>
      %while3A = arith.constant 0 : i32
      %while3A_127 = arith.subi %scan3A_119, %while3A : i32
      %while3A_128 = arith.addi %while3A, %while3A_127 : i32
      %while3A_129 = arith.constant 1 : i32
      %while3A_130 = arith.divsi %while3A_127, %while3A_129 : i32
      %while3A_131 = arith.muli %while3A_130, %while3A_129 : i32
      %while3A_132 = arith.addi %while3A, %while3A_131 : i32
      %while3A_133 = arith.constant 1 : i32
      %while3A_134 = scf.for %while3A_170 = %while3A to %while3A_132 step %while3A_133 iter_args(%while3A_171 = %broadcast_in_dim3A_126) -> (vector<1x1024xf32>)  : i32 {
        %mul3A_172 = arith.constant 1024 : i32
        %mul3A_173 = arith.muli %while3A_170, %mul3A_172 : i32
        %get3A_174 = arith.index_cast %mul3A_173 : i32 to index
        %get3A_175 = arith.constant 0 : index
        %get3A_176 = vector.load %arg0[%get3A_174, %get3A_175] : memref<22528x1xf32, #tpu.memory_space<vmem>>, vector<1024x1xf32>
        %ge3A = vector.broadcast %get3A_176 : vector<1024x1xf32> to vector<1024x1024xf32>
        %ge3A_177 = vector.broadcast %get3A_124 : vector<1x1024xf32> to vector<1024x1024xf32>
        %ge3A_178 = arith.cmpf oge, %ge3A, %ge3A_177 : vector<1024x1024xf32>
        %jit3A_179 = arith.constant 1.000000e+00 : f32
        %jit3A_180 = arith.constant 0.000000e+00 : f32
        %broadcast_in_dim3A_181 = vector.broadcast %jit3A_179 : f32 to vector<1024x1024xf32>
        %broadcast_in_dim3A_182 = vector.broadcast %jit3A_180 : f32 to vector<1024x1024xf32>
        %select_n3A_183 = arith.select %ge3A_178, %broadcast_in_dim3A_181, %broadcast_in_dim3A_182 : vector<1024x1024xi1>, vector<1024x1024xf32>
        %reduce_sum3A_184 = arith.constant dense<0.000000e+00> : vector<1024xf32>
        %reduce_sum3A_185 = vector.multi_reduction <add>, %select_n3A_183, %reduce_sum3A_184 [0] : vector<1024x1024xf32> to vector<1024xf32>
        %broadcast_in_dim3A_186 = vector.shape_cast %reduce_sum3A_185 : vector<1024xf32> to vector<1x1024xf32>
        %add3A_187 = arith.addf %while3A_171, %broadcast_in_dim3A_186 : vector<1x1024xf32>
        scf.yield %add3A_187 : vector<1x1024xf32>
      }
      %while3A_135 = arith.constant 1 : i32
      %while3A_136 = scf.for %while3A_170 = %while3A_132 to %while3A_128 step %while3A_135 iter_args(%while3A_171 = %while3A_134) -> (vector<1x1024xf32>)  : i32 {
        %mul3A_172 = arith.constant 1024 : i32
        %mul3A_173 = arith.muli %while3A_170, %mul3A_172 : i32
        %get3A_174 = arith.index_cast %mul3A_173 : i32 to index
        %get3A_175 = arith.constant 0 : index
        %get3A_176 = vector.load %arg0[%get3A_174, %get3A_175] : memref<22528x1xf32, #tpu.memory_space<vmem>>, vector<1024x1xf32>
        %ge3A = vector.broadcast %get3A_176 : vector<1024x1xf32> to vector<1024x1024xf32>
        %ge3A_177 = vector.broadcast %get3A_124 : vector<1x1024xf32> to vector<1024x1024xf32>
        %ge3A_178 = arith.cmpf oge, %ge3A, %ge3A_177 : vector<1024x1024xf32>
        %jit3A_179 = arith.constant 1.000000e+00 : f32
        %jit3A_180 = arith.constant 0.000000e+00 : f32
        %broadcast_in_dim3A_181 = vector.broadcast %jit3A_179 : f32 to vector<1024x1024xf32>
        %broadcast_in_dim3A_182 = vector.broadcast %jit3A_180 : f32 to vector<1024x1024xf32>
        %select_n3A_183 = arith.select %ge3A_178, %broadcast_in_dim3A_181, %broadcast_in_dim3A_182 : vector<1024x1024xi1>, vector<1024x1024xf32>
        %reduce_sum3A_184 = arith.constant dense<0.000000e+00> : vector<1024xf32>
        %reduce_sum3A_185 = vector.multi_reduction <add>, %select_n3A_183, %reduce_sum3A_184 [0] : vector<1024x1024xf32> to vector<1024xf32>
        %broadcast_in_dim3A_186 = vector.shape_cast %reduce_sum3A_185 : vector<1024xf32> to vector<1x1024xf32>
        %add3A_187 = arith.addf %while3A_171, %broadcast_in_dim3A_186 : vector<1x1024xf32>
        scf.yield %add3A_187 : vector<1x1024xf32>
      }
      %add3A_137 = arith.constant 1 : i32
      %add3A_138 = arith.addi %scan3A_119, %add3A_137 : i32
      %while3A_139 = arith.constant 22 : i32
      %while3A_140 = arith.subi %while3A_139, %add3A_138 : i32
      %while3A_141 = arith.addi %add3A_138, %while3A_140 : i32
      %while3A_142 = arith.constant 1 : i32
      %while3A_143 = arith.divsi %while3A_140, %while3A_142 : i32
      %while3A_144 = arith.muli %while3A_143, %while3A_142 : i32
      %while3A_145 = arith.addi %add3A_138, %while3A_144 : i32
      %while3A_146 = arith.constant 1 : i32
      %while3A_147 = scf.for %while3A_170 = %add3A_138 to %while3A_145 step %while3A_146 iter_args(%while3A_171 = %while3A_136) -> (vector<1x1024xf32>)  : i32 {
        %mul3A_172 = arith.constant 1024 : i32
        %mul3A_173 = arith.muli %while3A_170, %mul3A_172 : i32
        %get3A_174 = arith.index_cast %mul3A_173 : i32 to index
        %get3A_175 = arith.constant 0 : index
        %get3A_176 = vector.load %arg0[%get3A_174, %get3A_175] : memref<22528x1xf32, #tpu.memory_space<vmem>>, vector<1024x1xf32>
        %gt3A_177 = vector.broadcast %get3A_176 : vector<1024x1xf32> to vector<1024x1024xf32>
        %gt3A_178 = vector.broadcast %get3A_124 : vector<1x1024xf32> to vector<1024x1024xf32>
        %gt3A_179 = arith.cmpf ogt, %gt3A_177, %gt3A_178 : vector<1024x1024xf32>
        %jit3A_180 = arith.constant 1.000000e+00 : f32
        %jit3A_181 = arith.constant 0.000000e+00 : f32
        %broadcast_in_dim3A_182 = vector.broadcast %jit3A_180 : f32 to vector<1024x1024xf32>
        %broadcast_in_dim3A_183 = vector.broadcast %jit3A_181 : f32 to vector<1024x1024xf32>
        %select_n3A_184 = arith.select %gt3A_179, %broadcast_in_dim3A_182, %broadcast_in_dim3A_183 : vector<1024x1024xi1>, vector<1024x1024xf32>
        %reduce_sum3A_185 = arith.constant dense<0.000000e+00> : vector<1024xf32>
        %reduce_sum3A_186 = vector.multi_reduction <add>, %select_n3A_184, %reduce_sum3A_185 [0] : vector<1024x1024xf32> to vector<1024xf32>
        %broadcast_in_dim3A_187 = vector.shape_cast %reduce_sum3A_186 : vector<1024xf32> to vector<1x1024xf32>
        %add3A_188 = arith.addf %while3A_171, %broadcast_in_dim3A_187 : vector<1x1024xf32>
        scf.yield %add3A_188 : vector<1x1024xf32>
      }
      %while3A_148 = arith.constant 1 : i32
      %while3A_149 = scf.for %while3A_170 = %while3A_145 to %while3A_141 step %while3A_148 iter_args(%while3A_171 = %while3A_147) -> (vector<1x1024xf32>)  : i32 {
        %mul3A_172 = arith.constant 1024 : i32
        %mul3A_173 = arith.muli %while3A_170, %mul3A_172 : i32
        %get3A_174 = arith.index_cast %mul3A_173 : i32 to index
        %get3A_175 = arith.constant 0 : index
        %get3A_176 = vector.load %arg0[%get3A_174, %get3A_175] : memref<22528x1xf32, #tpu.memory_space<vmem>>, vector<1024x1xf32>
        %gt3A_177 = vector.broadcast %get3A_176 : vector<1024x1xf32> to vector<1024x1024xf32>
        %gt3A_178 = vector.broadcast %get3A_124 : vector<1x1024xf32> to vector<1024x1024xf32>
        %gt3A_179 = arith.cmpf ogt, %gt3A_177, %gt3A_178 : vector<1024x1024xf32>
        %jit3A_180 = arith.constant 1.000000e+00 : f32
        %jit3A_181 = arith.constant 0.000000e+00 : f32
        %broadcast_in_dim3A_182 = vector.broadcast %jit3A_180 : f32 to vector<1024x1024xf32>
        %broadcast_in_dim3A_183 = vector.broadcast %jit3A_181 : f32 to vector<1024x1024xf32>
        %select_n3A_184 = arith.select %gt3A_179, %broadcast_in_dim3A_182, %broadcast_in_dim3A_183 : vector<1024x1024xi1>, vector<1024x1024xf32>
        %reduce_sum3A_185 = arith.constant dense<0.000000e+00> : vector<1024xf32>
        %reduce_sum3A_186 = vector.multi_reduction <add>, %select_n3A_184, %reduce_sum3A_185 [0] : vector<1024x1024xf32> to vector<1024xf32>
        %broadcast_in_dim3A_187 = vector.shape_cast %reduce_sum3A_186 : vector<1024xf32> to vector<1x1024xf32>
        %add3A_188 = arith.addf %while3A_171, %broadcast_in_dim3A_187 : vector<1x1024xf32>
        scf.yield %add3A_188 : vector<1x1024xf32>
      }
      %get3A_150 = arith.index_cast %mul3A_121 : i32 to index
      %get3A_151 = arith.constant 0 : index
      %get3A_152 = vector.load %arg0[%get3A_150, %get3A_151] : memref<22528x1xf32, #tpu.memory_space<vmem>>, vector<1024x1xf32>
      %iota3A = tpu.iota {dimensions = array<i32: 0>} : vector<1024x1xi32>
      %iota3A_153 = tpu.iota {dimensions = array<i32: 1>} : vector<1x1024xi32>
      %gt3A = vector.broadcast %get3A_152 : vector<1024x1xf32> to vector<1024x1024xf32>
      %gt3A_154 = vector.broadcast %get3A_124 : vector<1x1024xf32> to vector<1024x1024xf32>
      %gt3A_155 = arith.cmpf ogt, %gt3A, %gt3A_154 : vector<1024x1024xf32>
      %eq3A = vector.broadcast %get3A_152 : vector<1024x1xf32> to vector<1024x1024xf32>
      %eq3A_156 = vector.broadcast %get3A_124 : vector<1x1024xf32> to vector<1024x1024xf32>
      %eq3A_157 = arith.cmpf oeq, %eq3A, %eq3A_156 : vector<1024x1024xf32>
      %lt3A = vector.broadcast %iota3A : vector<1024x1xi32> to vector<1024x1024xi32>
      %lt3A_158 = vector.broadcast %iota3A_153 : vector<1x1024xi32> to vector<1024x1024xi32>
      %lt3A_159 = arith.cmpi slt, %lt3A, %lt3A_158 : vector<1024x1024xi32>
      %and3A = arith.andi %eq3A_157, %lt3A_159 : vector<1024x1024xi1>
      %or3A = arith.ori %gt3A_155, %and3A : vector<1024x1024xi1>
      %jit3A_160 = arith.constant 1.000000e+00 : f32
      %jit3A_161 = arith.constant 0.000000e+00 : f32
      %broadcast_in_dim3A_162 = vector.broadcast %jit3A_160 : f32 to vector<1024x1024xf32>
      %broadcast_in_dim3A_163 = vector.broadcast %jit3A_161 : f32 to vector<1024x1024xf32>
      %select_n3A = arith.select %or3A, %broadcast_in_dim3A_162, %broadcast_in_dim3A_163 : vector<1024x1024xi1>, vector<1024x1024xf32>
      %reduce_sum3A = arith.constant dense<0.000000e+00> : vector<1024xf32>
      %reduce_sum3A_164 = vector.multi_reduction <add>, %select_n3A, %reduce_sum3A [0] : vector<1024x1024xf32> to vector<1024xf32>
      %broadcast_in_dim3A_165 = vector.shape_cast %reduce_sum3A_164 : vector<1024xf32> to vector<1x1024xf32>
      %add3A_166 = arith.addf %while3A_149, %broadcast_in_dim3A_165 : vector<1x1024xf32>
      %convert_element_type3A = arith.fptosi %add3A_166 : vector<1x1024xf32> to vector<1x1024xi32>
      %swap3A_167 = arith.constant 0 : index
      %swap3A_168 = arith.index_cast %mul3A_121 : i32 to index
      %swap3A_169 = vector.load %arg5[%swap3A_167, %swap3A_168] : memref<1x22528xi32, #tpu.memory_space<vmem>>, vector<1x1024xi32>
      tpu.vector_store %arg5[%swap3A_167, %swap3A_168], %convert_element_type3A {strides = array<i32>} : memref<1x22528xi32, #tpu.memory_space<vmem>>, vector<1x1024xi32>,
    }
    %scan3A_3 = arith.constant 22 : i32
    %get3A = arith.constant 0 : index
    %get3A_4 = arith.constant 0 : index
    %get3A_5 = vector.load %arg2[%get3A, %get3A_4] : memref<4x22528xf32, #tpu.memory_space<vmem>>, vector<1x22528xf32>
    %get3A_6 = arith.constant 1 : index
    %get3A_7 = arith.constant 0 : index
    %get3A_8 = vector.load %arg2[%get3A_6, %get3A_7] : memref<4x22528xf32, #tpu.memory_space<vmem>>, vector<1x22528xf32>
    %get3A_9 = arith.constant 2 : index
    %get3A_10 = arith.constant 0 : index
    %get3A_11 = vector.load %arg2[%get3A_9, %get3A_10] : memref<4x22528xf32, #tpu.memory_space<vmem>>, vector<1x22528xf32>
    %get3A_12 = arith.constant 3 : index
    %get3A_13 = arith.constant 0 : index
    %get3A_14 = vector.load %arg2[%get3A_12, %get3A_13] : memref<4x22528xf32, #tpu.memory_space<vmem>>, vector<1x22528xf32>
    %get3A_15 = arith.constant 0 : index
    %get3A_16 = arith.constant 0 : index
    %get3A_17 = vector.load %arg3[%get3A_15, %get3A_16] : memref<4x22528xf32, #tpu.memory_space<vmem>>, vector<1x22528xf32>
    %get3A_18 = arith.constant 1 : index
    %get3A_19 = arith.constant 0 : index
    %get3A_20 = vector.load %arg3[%get3A_18, %get3A_19] : memref<4x22528xf32, #tpu.memory_space<vmem>>, vector<1x22528xf32>
    %get3A_21 = arith.constant 2 : index
    %get3A_22 = arith.constant 0 : index
    %get3A_23 = vector.load %arg3[%get3A_21, %get3A_22] : memref<4x22528xf32, #tpu.memory_space<vmem>>, vector<1x22528xf32>
    %get3A_24 = arith.constant 3 : index
    %get3A_25 = arith.constant 0 : index
    %get3A_26 = vector.load %arg3[%get3A_24, %get3A_25] : memref<4x22528xf32, #tpu.memory_space<vmem>>, vector<1x22528xf32>
    %sub3A = arith.subf %get3A_11, %get3A_5 : vector<1x22528xf32>
    %add3A = arith.constant 1.000000e+00 : f32
    %add3A_27 = vector.broadcast %add3A : f32 to vector<1x22528xf32>
    %add3A_28 = arith.addf %sub3A, %add3A_27 : vector<1x22528xf32>
    %sub3A_29 = arith.subf %get3A_14, %get3A_8 : vector<1x22528xf32>
    %add3A_30 = arith.constant 1.000000e+00 : f32
    %add3A_31 = vector.broadcast %add3A_30 : f32 to vector<1x22528xf32>
    %add3A_32 = arith.addf %sub3A_29, %add3A_31 : vector<1x22528xf32>
    %mul3A = arith.constant 5.000000e-01 : f32
    %mul3A_33 = vector.broadcast %mul3A : f32 to vector<1x22528xf32>
    %mul3A_34 = arith.mulf %mul3A_33, %add3A_28 : vector<1x22528xf32>
    %add3A_35 = arith.addf %get3A_5, %mul3A_34 : vector<1x22528xf32>
    %mul3A_36 = arith.constant 5.000000e-01 : f32
    %mul3A_37 = vector.broadcast %mul3A_36 : f32 to vector<1x22528xf32>
    %mul3A_38 = arith.mulf %mul3A_37, %add3A_32 : vector<1x22528xf32>
    %add3A_39 = arith.addf %get3A_8, %mul3A_38 : vector<1x22528xf32>
    %mul3A_40 = arith.mulf %get3A_17, %add3A_28 : vector<1x22528xf32>
    %add3A_41 = arith.addf %mul3A_40, %add3A_35 : vector<1x22528xf32>
    %mul3A_42 = arith.mulf %get3A_20, %add3A_32 : vector<1x22528xf32>
    %add3A_43 = arith.addf %mul3A_42, %add3A_39 : vector<1x22528xf32>
    %exp3A = math.exp %get3A_23 : vector<1x22528xf32>
    %mul3A_44 = arith.mulf %exp3A, %add3A_28 : vector<1x22528xf32>
    %exp3A_45 = math.exp %get3A_26 : vector<1x22528xf32>
    %mul3A_46 = arith.mulf %exp3A_45, %add3A_32 : vector<1x22528xf32>
    %mul3A_47 = arith.constant 5.000000e-01 : f32
    %mul3A_48 = vector.broadcast %mul3A_47 : f32 to vector<1x22528xf32>
    %mul3A_49 = arith.mulf %mul3A_48, %mul3A_44 : vector<1x22528xf32>
    %sub3A_50 = arith.subf %add3A_41, %mul3A_49 : vector<1x22528xf32>
    %mul3A_51 = arith.constant 5.000000e-01 : f32
    %mul3A_52 = vector.broadcast %mul3A_51 : f32 to vector<1x22528xf32>
    %mul3A_53 = arith.mulf %mul3A_52, %mul3A_46 : vector<1x22528xf32>
    %sub3A_54 = arith.subf %add3A_43, %mul3A_53 : vector<1x22528xf32>
    %mul3A_55 = arith.constant 5.000000e-01 : f32
    %mul3A_56 = vector.broadcast %mul3A_55 : f32 to vector<1x22528xf32>
    %mul3A_57 = arith.mulf %mul3A_56, %mul3A_44 : vector<1x22528xf32>
    %add3A_58 = arith.addf %add3A_41, %mul3A_57 : vector<1x22528xf32>
    %sub3A_59 = arith.constant 1.000000e+00 : f32
    %sub3A_60 = vector.broadcast %sub3A_59 : f32 to vector<1x22528xf32>
    %sub3A_61 = arith.subf %add3A_58, %sub3A_60 : vector<1x22528xf32>
    %mul3A_62 = arith.constant 5.000000e-01 : f32
    %mul3A_63 = vector.broadcast %mul3A_62 : f32 to vector<1x22528xf32>
    %mul3A_64 = arith.mulf %mul3A_63, %mul3A_46 : vector<1x22528xf32>
    %add3A_65 = arith.addf %add3A_43, %mul3A_64 : vector<1x22528xf32>
    %sub3A_66 = arith.constant 1.000000e+00 : f32
    %sub3A_67 = vector.broadcast %sub3A_66 : f32 to vector<1x22528xf32>
    %sub3A_68 = arith.subf %add3A_65, %sub3A_67 : vector<1x22528xf32>
    %get3A_69 = arith.constant 0 : index
    %get3A_70 = arith.constant 0 : index
    %get3A_71 = vector.load %arg4[%get3A_69, %get3A_70] : memref<1x1xf32, #tpu.memory_space<vmem>>, vector<1x1xf32>
    %get3A_72 = vector.extract %get3A_71[0, 0] : f32 from vector<1x1xf32>
    %sub3A_73 = arith.constant 1.000000e+00 : f32
    %sub3A_74 = arith.subf %get3A_72, %sub3A_73 : f32
    %jit3A = arith.constant 0.000000e+00 : f32
    %max3A = vector.broadcast %jit3A : f32 to vector<1x22528xf32>
    %max3A_75 = arith.maximumf %max3A, %sub3A_50 : vector<1x22528xf32>
    %min3A = vector.broadcast %sub3A_74 : f32 to vector<1x22528xf32>
    %min3A_76 = arith.minimumf %min3A, %max3A_75 : vector<1x22528xf32>
    %jit3A_77 = arith.constant 0.000000e+00 : f32
    %max3A_78 = vector.broadcast %jit3A_77 : f32 to vector<1x22528xf32>
    %max3A_79 = arith.maximumf %max3A_78, %sub3A_54 : vector<1x22528xf32>
    %min3A_80 = vector.broadcast %sub3A_74 : f32 to vector<1x22528xf32>
    %min3A_81 = arith.minimumf %min3A_80, %max3A_79 : vector<1x22528xf32>
    %jit3A_82 = arith.constant 0.000000e+00 : f32
    %max3A_83 = vector.broadcast %jit3A_82 : f32 to vector<1x22528xf32>
    %max3A_84 = arith.maximumf %max3A_83, %sub3A_61 : vector<1x22528xf32>
    %min3A_85 = vector.broadcast %sub3A_74 : f32 to vector<1x22528xf32>
    %min3A_86 = arith.minimumf %min3A_85, %max3A_84 : vector<1x22528xf32>
    %jit3A_87 = arith.constant 0.000000e+00 : f32
    %max3A_88 = vector.broadcast %jit3A_87 : f32 to vector<1x22528xf32>
    %max3A_89 = arith.maximumf %max3A_88, %sub3A_68 : vector<1x22528xf32>
    %min3A_90 = vector.broadcast %sub3A_74 : f32 to vector<1x22528xf32>
    %min3A_91 = arith.minimumf %min3A_90, %max3A_89 : vector<1x22528xf32>
    %swap3A = arith.constant 0 : index
    %swap3A_92 = arith.constant 0 : index
    %swap3A_93 = vector.load %arg6[%swap3A, %swap3A_92] : memref<8x22528xf32, #tpu.memory_space<vmem>>, vector<1x22528xf32>
    tpu.vector_store %arg6[%swap3A, %swap3A_92], %min3A_76 {strides = array<i32>} : memref<8x22528xf32, #tpu.memory_space<vmem>>, vector<1x22528xf32>,
    %swap3A_94 = arith.constant 1 : index
    %swap3A_95 = arith.constant 0 : index
    %swap3A_96 = vector.load %arg6[%swap3A_94, %swap3A_95] : memref<8x22528xf32, #tpu.memory_space<vmem>>, vector<1x22528xf32>
    tpu.vector_store %arg6[%swap3A_94, %swap3A_95], %min3A_81 {strides = array<i32>} : memref<8x22528xf32, #tpu.memory_space<vmem>>, vector<1x22528xf32>,
    %swap3A_97 = arith.constant 2 : index
    %swap3A_98 = arith.constant 0 : index
    %swap3A_99 = vector.load %arg6[%swap3A_97, %swap3A_98] : memref<8x22528xf32, #tpu.memory_space<vmem>>, vector<1x22528xf32>
    tpu.vector_store %arg6[%swap3A_97, %swap3A_98], %min3A_86 {strides = array<i32>} : memref<8x22528xf32, #tpu.memory_space<vmem>>, vector<1x22528xf32>,
    %swap3A_100 = arith.constant 3 : index
    %swap3A_101 = arith.constant 0 : index
    %swap3A_102 = vector.load %arg6[%swap3A_100, %swap3A_101] : memref<8x22528xf32, #tpu.memory_space<vmem>>, vector<1x22528xf32>
    tpu.vector_store %arg6[%swap3A_100, %swap3A_101], %min3A_91 {strides = array<i32>} : memref<8x22528xf32, #tpu.memory_space<vmem>>, vector<1x22528xf32>,
    %sub3A_103 = arith.subf %min3A_86, %min3A_76 : vector<1x22528xf32>
    %max3A_104 = arith.constant 0.000000e+00 : f32
    %max3A_105 = vector.broadcast %max3A_104 : f32 to vector<1x22528xf32>
    %max3A_106 = arith.maximumf %sub3A_103, %max3A_105 : vector<1x22528xf32>
    %sub3A_107 = arith.subf %min3A_91, %min3A_81 : vector<1x22528xf32>
    %max3A_108 = arith.constant 0.000000e+00 : f32
    %max3A_109 = vector.broadcast %max3A_108 : f32 to vector<1x22528xf32>
    %max3A_110 = arith.maximumf %sub3A_107, %max3A_109 : vector<1x22528xf32>
    %mul3A_111 = arith.mulf %max3A_106, %max3A_110 : vector<1x22528xf32>
    %swap3A_112 = arith.constant 4 : index
    %swap3A_113 = arith.constant 0 : index
    %swap3A_114 = vector.load %arg6[%swap3A_112, %swap3A_113] : memref<8x22528xf32, #tpu.memory_space<vmem>>, vector<1x22528xf32>
    tpu.vector_store %arg6[%swap3A_112, %swap3A_113], %mul3A_111 {strides = array<i32>} : memref<8x22528xf32, #tpu.memory_space<vmem>>, vector<1x22528xf32>,
    %broadcast_in_dim3A = arith.constant 0.000000e+00 : f32
    %broadcast_in_dim3A_115 = vector.broadcast %broadcast_in_dim3A : f32 to vector<3x22528xf32>
    %swap3A_116 = arith.constant 5 : index
    %swap3A_117 = arith.constant 0 : index
    %swap3A_118 = vector.load %arg6[%swap3A_116, %swap3A_117] : memref<8x22528xf32, #tpu.memory_space<vmem>>, vector<3x22528xf32>
    tpu.vector_store %arg6[%swap3A_116, %swap3A_117], %broadcast_in_dim3A_115 {strides = array<i32>} : memref<8x22528xf32, #tpu.memory_space<vmem>>, vector<3x22528xf32>,
    return
  }
}

module attributes {stable_mosaic.version = 14 : i64} {
  func.func @_nms_kernel(%arg0: memref<96x128xf32, #tpu.memory_space<vmem>>, %arg1: memref<96x128xf32, #tpu.memory_space<vmem>>, %arg2: memref<96x128xf32, #tpu.memory_space<vmem>>, %arg3: memref<96x128xf32, #tpu.memory_space<vmem>>, %arg4: memref<96x128xf32, #tpu.memory_space<vmem>>, %arg5: memref<12288x4xf32, #tpu.memory_space<vmem>>, %arg6: memref<2000x4xf32, #tpu.memory_space<vmem>>, %arg7: memref<2048x4xf32, #tpu.memory_space<vmem>>, %arg8: memref<2048x1xf32, #tpu.memory_space<vmem>>, %arg9: memref<1x1xf32, #tpu.memory_space<smem>>) attributes {dimension_semantics = [], scalar_prefetch = 0 : i64, scratch_operands = 3 : i64, tpu.core_type = #tpu.core_type<tc>} {
    %broadcast_in_dim3A = arith.constant 0.000000e+00 : f32
    %broadcast_in_dim3A_0 = vector.broadcast %broadcast_in_dim3A : f32 to vector<2048x4xf32>
    %swap3A = arith.constant 0 : index
    %swap3A_1 = arith.constant 0 : index
    %swap3A_2 = vector.load %arg7[%swap3A, %swap3A_1] : memref<2048x4xf32, #tpu.memory_space<vmem>>, vector<2048x4xf32>
    tpu.vector_store %arg7[%swap3A, %swap3A_1], %broadcast_in_dim3A_0 {strides = array<i32>} : memref<2048x4xf32, #tpu.memory_space<vmem>>, vector<2048x4xf32>,
    %broadcast_in_dim3A_3 = arith.constant 0.000000e+00 : f32
    %broadcast_in_dim3A_4 = vector.broadcast %broadcast_in_dim3A_3 : f32 to vector<2048x1xf32>
    %swap3A_5 = arith.constant 0 : index
    %swap3A_6 = arith.constant 0 : index
    %swap3A_7 = vector.load %arg8[%swap3A_5, %swap3A_6] : memref<2048x1xf32, #tpu.memory_space<vmem>>, vector<2048x1xf32>
    tpu.vector_store %arg8[%swap3A_5, %swap3A_6], %broadcast_in_dim3A_4 {strides = array<i32>} : memref<2048x1xf32, #tpu.memory_space<vmem>>, vector<2048x1xf32>,
    %iota3A = tpu.iota {dimensions = array<i32: 1>} : vector<1x128xi32>
    %convert_element_type3A = arith.sitofp %iota3A : vector<1x128xi32> to vector<1x128xf32>
    %while3A = arith.constant 0 : i32
    %while3A_8 = arith.constant 0 : i32
    %while3A_9:2 = scf.while (%while3A_15 = %while3A, %while3A_16 = %while3A_8) : (i32, i32) -> (i32, i32) {
      %lt3A = arith.constant 2000 : i32
      %lt3A_17 = arith.cmpi slt, %while3A_15, %lt3A : i32
      %lt3A_18 = arith.constant 94 : i32
      %lt3A_19 = arith.cmpi slt, %while3A_16, %lt3A_18 : i32
      %and3A = arith.andi %lt3A_17, %lt3A_19 : i1
      scf.condition(%and3A) %while3A_15, %while3A_16 : i32, i32
    } do {
    ^bb0(%while3A_15: i32, %while3A_16: i32):
      %get3A_17 = arith.index_cast %while3A_16 : i32 to index
      %get3A_18 = arith.constant 0 : index
      %get3A_19 = vector.load %arg0[%get3A_17, %get3A_18] : memref<96x128xf32, #tpu.memory_space<vmem>>, vector<1x128xf32>
      %get3A_20 = arith.index_cast %while3A_16 : i32 to index
      %get3A_21 = arith.constant 0 : index
      %get3A_22 = vector.load %arg1[%get3A_20, %get3A_21] : memref<96x128xf32, #tpu.memory_space<vmem>>, vector<1x128xf32>
      %get3A_23 = arith.index_cast %while3A_16 : i32 to index
      %get3A_24 = arith.constant 0 : index
      %get3A_25 = vector.load %arg2[%get3A_23, %get3A_24] : memref<96x128xf32, #tpu.memory_space<vmem>>, vector<1x128xf32>
      %get3A_26 = arith.index_cast %while3A_16 : i32 to index
      %get3A_27 = arith.constant 0 : index
      %get3A_28 = vector.load %arg3[%get3A_26, %get3A_27] : memref<96x128xf32, #tpu.memory_space<vmem>>, vector<1x128xf32>
      %get3A_29 = arith.index_cast %while3A_16 : i32 to index
      %get3A_30 = arith.constant 0 : index
      %get3A_31 = vector.load %arg4[%get3A_29, %get3A_30] : memref<96x128xf32, #tpu.memory_space<vmem>>, vector<1x128xf32>
      %mul3A = arith.constant 128 : i32
      %mul3A_32 = arith.muli %while3A_16, %mul3A : i32
      %convert_element_type3A_33 = arith.sitofp %mul3A_32 : i32 to f32
      %add3A = vector.broadcast %convert_element_type3A_33 : f32 to vector<1x128xf32>
      %add3A_34 = arith.addf %convert_element_type3A, %add3A : vector<1x128xf32>
      %add3A_35 = arith.constant 512 : i32
      %add3A_36 = arith.addi %while3A_15, %add3A_35 : i32
      %sub3A = arith.constant 1 : i32
      %sub3A_37 = arith.subi %add3A_36, %sub3A : i32
      %jit3A = arith.constant 512 : i32
      %div3A = arith.divsi %sub3A_37, %jit3A : i32
      %sign3A = arith.constant 0 : i32
      %sign3A_38 = arith.cmpi sgt, %sub3A_37, %sign3A : i32
      %sign3A_39 = arith.extui %sign3A_38 : i1 to i32
      %sign3A_40 = arith.constant 0 : i32
      %sign3A_41 = arith.cmpi slt, %sub3A_37, %sign3A_40 : i32
      %sign3A_42 = arith.extui %sign3A_41 : i1 to i32
      %sign3A_43 = arith.subi %sign3A_39, %sign3A_42 : i32
      %sign3A_44 = arith.constant 0 : i32
      %sign3A_45 = arith.cmpi sgt, %jit3A, %sign3A_44 : i32
      %sign3A_46 = arith.extui %sign3A_45 : i1 to i32
      %sign3A_47 = arith.constant 0 : i32
      %sign3A_48 = arith.cmpi slt, %jit3A, %sign3A_47 : i32
      %sign3A_49 = arith.extui %sign3A_48 : i1 to i32
      %sign3A_50 = arith.subi %sign3A_46, %sign3A_49 : i32
      %ne3A = arith.cmpi ne, %sign3A_43, %sign3A_50 : i32
      %rem3A = arith.remsi %sub3A_37, %jit3A : i32
      %ne3A_51 = arith.constant 0 : i32
      %ne3A_52 = arith.cmpi ne, %rem3A, %ne3A_51 : i32
      %and3A = arith.andi %ne3A, %ne3A_52 : i1
      %sub3A_53 = arith.constant 1 : i32
      %sub3A_54 = arith.subi %div3A, %sub3A_53 : i32
      %select_n3A = arith.select %and3A, %sub3A_54, %div3A : i32
      %ge3A = arith.constant 1.200000e+04 : f32
      %ge3A_55 = vector.broadcast %ge3A : f32 to vector<1x128xf32>
      %ge3A_56 = arith.cmpf oge, %add3A_34, %ge3A_55 : vector<1x128xf32>
      %jit3A_57 = arith.constant 1.000000e+00 : f32
      %jit3A_58 = arith.constant 0.000000e+00 : f32
      %broadcast_in_dim3A_59 = vector.broadcast %jit3A_57 : f32 to vector<1x128xf32>
      %broadcast_in_dim3A_60 = vector.broadcast %jit3A_58 : f32 to vector<1x128xf32>
      %select_n3A_61 = arith.select %ge3A_56, %broadcast_in_dim3A_59, %broadcast_in_dim3A_60 : vector<1x128xi1>, vector<1x128xf32>
      %while3A_62 = arith.constant 0 : i32
      %while3A_63 = arith.subi %select_n3A, %while3A_62 : i32
      %while3A_64 = arith.addi %while3A_62, %while3A_63 : i32
      %while3A_65 = arith.constant 1 : i32
      %while3A_66 = arith.divsi %while3A_63, %while3A_65 : i32
      %while3A_67 = arith.muli %while3A_66, %while3A_65 : i32
      %while3A_68 = arith.addi %while3A_62, %while3A_67 : i32
      %while3A_69 = arith.constant 1 : i32
      %while3A_70 = scf.for %while3A_77 = %while3A_62 to %while3A_68 step %while3A_69 iter_args(%while3A_78 = %select_n3A_61) -> (vector<1x128xf32>)  : i32 {
        %mul3A_79 = arith.constant 512 : i32
        %mul3A_80 = arith.muli %while3A_77, %mul3A_79 : i32
        %get3A_81 = arith.index_cast %mul3A_80 : i32 to index
        %get3A_82 = arith.constant 0 : index
        %get3A_83 = vector.load %arg7[%get3A_81, %get3A_82] : memref<2048x4xf32, #tpu.memory_space<vmem>>, vector<512x1xf32>
        %get3A_84 = arith.index_cast %mul3A_80 : i32 to index
        %get3A_85 = arith.constant 1 : index
        %get3A_86 = vector.load %arg7[%get3A_84, %get3A_85] : memref<2048x4xf32, #tpu.memory_space<vmem>>, vector<512x1xf32>
        %get3A_87 = arith.index_cast %mul3A_80 : i32 to index
        %get3A_88 = arith.constant 2 : index
        %get3A_89 = vector.load %arg7[%get3A_87, %get3A_88] : memref<2048x4xf32, #tpu.memory_space<vmem>>, vector<512x1xf32>
        %get3A_90 = arith.index_cast %mul3A_80 : i32 to index
        %get3A_91 = arith.constant 3 : index
        %get3A_92 = vector.load %arg7[%get3A_90, %get3A_91] : memref<2048x4xf32, #tpu.memory_space<vmem>>, vector<512x1xf32>
        %get3A_93 = arith.index_cast %mul3A_80 : i32 to index
        %get3A_94 = arith.constant 0 : index
        %get3A_95 = vector.load %arg8[%get3A_93, %get3A_94] : memref<2048x1xf32, #tpu.memory_space<vmem>>, vector<512x1xf32>
        %max3A = vector.broadcast %get3A_83 : vector<512x1xf32> to vector<512x128xf32>
        %max3A_96 = vector.broadcast %get3A_19 : vector<1x128xf32> to vector<512x128xf32>
        %max3A_97 = arith.maximumf %max3A, %max3A_96 : vector<512x128xf32>
        %max3A_98 = vector.broadcast %get3A_86 : vector<512x1xf32> to vector<512x128xf32>
        %max3A_99 = vector.broadcast %get3A_22 : vector<1x128xf32> to vector<512x128xf32>
        %max3A_100 = arith.maximumf %max3A_98, %max3A_99 : vector<512x128xf32>
        %min3A = vector.broadcast %get3A_89 : vector<512x1xf32> to vector<512x128xf32>
        %min3A_101 = vector.broadcast %get3A_25 : vector<1x128xf32> to vector<512x128xf32>
        %min3A_102 = arith.minimumf %min3A, %min3A_101 : vector<512x128xf32>
        %min3A_103 = vector.broadcast %get3A_92 : vector<512x1xf32> to vector<512x128xf32>
        %min3A_104 = vector.broadcast %get3A_28 : vector<1x128xf32> to vector<512x128xf32>
        %min3A_105 = arith.minimumf %min3A_103, %min3A_104 : vector<512x128xf32>
        %sub3A_106 = arith.subf %min3A_102, %max3A_97 : vector<512x128xf32>
        %max3A_107 = arith.constant 0.000000e+00 : f32
        %max3A_108 = vector.broadcast %max3A_107 : f32 to vector<512x128xf32>
        %max3A_109 = arith.maximumf %sub3A_106, %max3A_108 : vector<512x128xf32>
        %sub3A_110 = arith.subf %min3A_105, %max3A_100 : vector<512x128xf32>
        %max3A_111 = arith.constant 0.000000e+00 : f32
        %max3A_112 = vector.broadcast %max3A_111 : f32 to vector<512x128xf32>
        %max3A_113 = arith.maximumf %sub3A_110, %max3A_112 : vector<512x128xf32>
        %mul3A_114 = arith.mulf %max3A_109, %max3A_113 : vector<512x128xf32>
        %add3A_115 = vector.broadcast %get3A_95 : vector<512x1xf32> to vector<512x128xf32>
        %add3A_116 = vector.broadcast %get3A_31 : vector<1x128xf32> to vector<512x128xf32>
        %add3A_117 = arith.addf %add3A_115, %add3A_116 : vector<512x128xf32>
        %sub3A_118 = arith.subf %add3A_117, %mul3A_114 : vector<512x128xf32>
        %gt3A = arith.constant 0.000000e+00 : f32
        %gt3A_119 = vector.broadcast %gt3A : f32 to vector<512x128xf32>
        %gt3A_120 = arith.cmpf ogt, %sub3A_118, %gt3A_119 : vector<512x128xf32>
        %div3A_121 = arith.divf %mul3A_114, %sub3A_118 : vector<512x128xf32>
        %jit3A_122 = arith.constant 0.000000e+00 : f32
        %broadcast_in_dim3A_123 = vector.broadcast %jit3A_122 : f32 to vector<512x128xf32>
        %select_n3A_124 = arith.select %gt3A_120, %div3A_121, %broadcast_in_dim3A_123 : vector<512x128xi1>, vector<512x128xf32>
        %gt3A_125 = arith.constant 0.699999988 : f32
        %gt3A_126 = vector.broadcast %gt3A_125 : f32 to vector<512x128xf32>
        %gt3A_127 = arith.cmpf ogt, %select_n3A_124, %gt3A_126 : vector<512x128xf32>
        %jit3A_128 = arith.constant 1.000000e+00 : f32
        %jit3A_129 = arith.constant 0.000000e+00 : f32
        %broadcast_in_dim3A_130 = vector.broadcast %jit3A_128 : f32 to vector<512x128xf32>
        %broadcast_in_dim3A_131 = vector.broadcast %jit3A_129 : f32 to vector<512x128xf32>
        %select_n3A_132 = arith.select %gt3A_127, %broadcast_in_dim3A_130, %broadcast_in_dim3A_131 : vector<512x128xi1>, vector<512x128xf32>
        %reduce_max3A = arith.constant dense<0xFF800000> : vector<128xf32>
        %reduce_max3A_133 = vector.multi_reduction <maximumf>, %select_n3A_132, %reduce_max3A [0] : vector<512x128xf32> to vector<128xf32>
        %broadcast_in_dim3A_134 = vector.shape_cast %reduce_max3A_133 : vector<128xf32> to vector<1x128xf32>
        %max3A_135 = arith.maximumf %while3A_78, %broadcast_in_dim3A_134 : vector<1x128xf32>
        scf.yield %max3A_135 : vector<1x128xf32>
      }
      %while3A_71 = arith.constant 1 : i32
      %while3A_72 = scf.for %while3A_77 = %while3A_68 to %while3A_64 step %while3A_71 iter_args(%while3A_78 = %while3A_70) -> (vector<1x128xf32>)  : i32 {
        %mul3A_79 = arith.constant 512 : i32
        %mul3A_80 = arith.muli %while3A_77, %mul3A_79 : i32
        %get3A_81 = arith.index_cast %mul3A_80 : i32 to index
        %get3A_82 = arith.constant 0 : index
        %get3A_83 = vector.load %arg7[%get3A_81, %get3A_82] : memref<2048x4xf32, #tpu.memory_space<vmem>>, vector<512x1xf32>
        %get3A_84 = arith.index_cast %mul3A_80 : i32 to index
        %get3A_85 = arith.constant 1 : index
        %get3A_86 = vector.load %arg7[%get3A_84, %get3A_85] : memref<2048x4xf32, #tpu.memory_space<vmem>>, vector<512x1xf32>
        %get3A_87 = arith.index_cast %mul3A_80 : i32 to index
        %get3A_88 = arith.constant 2 : index
        %get3A_89 = vector.load %arg7[%get3A_87, %get3A_88] : memref<2048x4xf32, #tpu.memory_space<vmem>>, vector<512x1xf32>
        %get3A_90 = arith.index_cast %mul3A_80 : i32 to index
        %get3A_91 = arith.constant 3 : index
        %get3A_92 = vector.load %arg7[%get3A_90, %get3A_91] : memref<2048x4xf32, #tpu.memory_space<vmem>>, vector<512x1xf32>
        %get3A_93 = arith.index_cast %mul3A_80 : i32 to index
        %get3A_94 = arith.constant 0 : index
        %get3A_95 = vector.load %arg8[%get3A_93, %get3A_94] : memref<2048x1xf32, #tpu.memory_space<vmem>>, vector<512x1xf32>
        %max3A = vector.broadcast %get3A_83 : vector<512x1xf32> to vector<512x128xf32>
        %max3A_96 = vector.broadcast %get3A_19 : vector<1x128xf32> to vector<512x128xf32>
        %max3A_97 = arith.maximumf %max3A, %max3A_96 : vector<512x128xf32>
        %max3A_98 = vector.broadcast %get3A_86 : vector<512x1xf32> to vector<512x128xf32>
        %max3A_99 = vector.broadcast %get3A_22 : vector<1x128xf32> to vector<512x128xf32>
        %max3A_100 = arith.maximumf %max3A_98, %max3A_99 : vector<512x128xf32>
        %min3A = vector.broadcast %get3A_89 : vector<512x1xf32> to vector<512x128xf32>
        %min3A_101 = vector.broadcast %get3A_25 : vector<1x128xf32> to vector<512x128xf32>
        %min3A_102 = arith.minimumf %min3A, %min3A_101 : vector<512x128xf32>
        %min3A_103 = vector.broadcast %get3A_92 : vector<512x1xf32> to vector<512x128xf32>
        %min3A_104 = vector.broadcast %get3A_28 : vector<1x128xf32> to vector<512x128xf32>
        %min3A_105 = arith.minimumf %min3A_103, %min3A_104 : vector<512x128xf32>
        %sub3A_106 = arith.subf %min3A_102, %max3A_97 : vector<512x128xf32>
        %max3A_107 = arith.constant 0.000000e+00 : f32
        %max3A_108 = vector.broadcast %max3A_107 : f32 to vector<512x128xf32>
        %max3A_109 = arith.maximumf %sub3A_106, %max3A_108 : vector<512x128xf32>
        %sub3A_110 = arith.subf %min3A_105, %max3A_100 : vector<512x128xf32>
        %max3A_111 = arith.constant 0.000000e+00 : f32
        %max3A_112 = vector.broadcast %max3A_111 : f32 to vector<512x128xf32>
        %max3A_113 = arith.maximumf %sub3A_110, %max3A_112 : vector<512x128xf32>
        %mul3A_114 = arith.mulf %max3A_109, %max3A_113 : vector<512x128xf32>
        %add3A_115 = vector.broadcast %get3A_95 : vector<512x1xf32> to vector<512x128xf32>
        %add3A_116 = vector.broadcast %get3A_31 : vector<1x128xf32> to vector<512x128xf32>
        %add3A_117 = arith.addf %add3A_115, %add3A_116 : vector<512x128xf32>
        %sub3A_118 = arith.subf %add3A_117, %mul3A_114 : vector<512x128xf32>
        %gt3A = arith.constant 0.000000e+00 : f32
        %gt3A_119 = vector.broadcast %gt3A : f32 to vector<512x128xf32>
        %gt3A_120 = arith.cmpf ogt, %sub3A_118, %gt3A_119 : vector<512x128xf32>
        %div3A_121 = arith.divf %mul3A_114, %sub3A_118 : vector<512x128xf32>
        %jit3A_122 = arith.constant 0.000000e+00 : f32
        %broadcast_in_dim3A_123 = vector.broadcast %jit3A_122 : f32 to vector<512x128xf32>
        %select_n3A_124 = arith.select %gt3A_120, %div3A_121, %broadcast_in_dim3A_123 : vector<512x128xi1>, vector<512x128xf32>
        %gt3A_125 = arith.constant 0.699999988 : f32
        %gt3A_126 = vector.broadcast %gt3A_125 : f32 to vector<512x128xf32>
        %gt3A_127 = arith.cmpf ogt, %select_n3A_124, %gt3A_126 : vector<512x128xf32>
        %jit3A_128 = arith.constant 1.000000e+00 : f32
        %jit3A_129 = arith.constant 0.000000e+00 : f32
        %broadcast_in_dim3A_130 = vector.broadcast %jit3A_128 : f32 to vector<512x128xf32>
        %broadcast_in_dim3A_131 = vector.broadcast %jit3A_129 : f32 to vector<512x128xf32>
        %select_n3A_132 = arith.select %gt3A_127, %broadcast_in_dim3A_130, %broadcast_in_dim3A_131 : vector<512x128xi1>, vector<512x128xf32>
        %reduce_max3A = arith.constant dense<0xFF800000> : vector<128xf32>
        %reduce_max3A_133 = vector.multi_reduction <maximumf>, %select_n3A_132, %reduce_max3A [0] : vector<512x128xf32> to vector<128xf32>
        %broadcast_in_dim3A_134 = vector.shape_cast %reduce_max3A_133 : vector<128xf32> to vector<1x128xf32>
        %max3A_135 = arith.maximumf %while3A_78, %broadcast_in_dim3A_134 : vector<1x128xf32>
        scf.yield %max3A_135 : vector<1x128xf32>
      }
      %while3A_73 = arith.constant 0 : i32
      %while3A_74:2 = scf.while (%while3A_77 = %while3A_15, %while3A_78 = %while3A_72) : (i32, vector<1x128xf32>) -> (i32, vector<1x128xf32>) {
        %lt3A = arith.constant 2000 : i32
        %lt3A_79 = arith.cmpi slt, %while3A_77, %lt3A : i32
        %reduce_min3A = vector.shape_cast %while3A_78 : vector<1x128xf32> to vector<1x1x128xf32>
        %reduce_min3A_80 = arith.constant dense<0x7F800000> : vector<1xf32>
        %reduce_min3A_81 = vector.multi_reduction <minimumf>, %reduce_min3A, %reduce_min3A_80 [1, 2] : vector<1x1x128xf32> to vector<1xf32>
        %reduce_min3A_82 = vector.shape_cast %reduce_min3A_81 : vector<1xf32> to vector<1x1x1xf32>
        %reduce_min3A_83 = vector.extract %reduce_min3A_82[0, 0, 0] : f32 from vector<1x1x1xf32>
        %eq3A = arith.constant 0.000000e+00 : f32
        %eq3A_84 = arith.cmpf oeq, %reduce_min3A_83, %eq3A : f32
        %and3A_85 = arith.andi %lt3A_79, %eq3A_84 : i1
        scf.condition(%and3A_85) %while3A_77, %while3A_78 : i32, vector<1x128xf32>
      } do {
      ^bb0(%while3A_77: i32, %while3A_78: vector<1x128xf32>):
        %eq3A = arith.constant 0.000000e+00 : f32
        %eq3A_79 = vector.broadcast %eq3A : f32 to vector<1x128xf32>
        %eq3A_80 = arith.cmpf oeq, %while3A_78, %eq3A_79 : vector<1x128xf32>
        %jit3A_81 = arith.constant 3.000000e+07 : f32
        %broadcast_in_dim3A_82 = vector.broadcast %jit3A_81 : f32 to vector<1x128xf32>
        %select_n3A_83 = arith.select %eq3A_80, %add3A_34, %broadcast_in_dim3A_82 : vector<1x128xi1>, vector<1x128xf32>
        %reduce_min3A = vector.shape_cast %select_n3A_83 : vector<1x128xf32> to vector<1x1x128xf32>
        %reduce_min3A_84 = arith.constant dense<0x7F800000> : vector<1xf32>
        %reduce_min3A_85 = vector.multi_reduction <minimumf>, %reduce_min3A, %reduce_min3A_84 [1, 2] : vector<1x1x128xf32> to vector<1xf32>
        %reduce_min3A_86 = vector.shape_cast %reduce_min3A_85 : vector<1xf32> to vector<1x1x1xf32>
        %reduce_min3A_87 = vector.extract %reduce_min3A_86[0, 0, 0] : f32 from vector<1x1x1xf32>
        %convert_element_type3A_88 = arith.fptosi %reduce_min3A_87 : f32 to i32
        %get3A_89 = arith.index_cast %convert_element_type3A_88 : i32 to index
        %get3A_90 = arith.constant 0 : index
        %get3A_91 = vector.load %arg5[%get3A_89, %get3A_90] : memref<12288x4xf32, #tpu.memory_space<vmem>>, vector<1x4xf32>
        %swap3A_92 = arith.index_cast %while3A_77 : i32 to index
        %swap3A_93 = arith.constant 0 : index
        %swap3A_94 = vector.load %arg7[%swap3A_92, %swap3A_93] : memref<2048x4xf32, #tpu.memory_space<vmem>>, vector<1x4xf32>
        tpu.vector_store %arg7[%swap3A_92, %swap3A_93], %get3A_91 {strides = array<i32>} : memref<2048x4xf32, #tpu.memory_space<vmem>>, vector<1x4xf32>,
        %slice3A = vector.extract_strided_slice %get3A_91 {offsets = [0, 0], sizes = [1, 1], strides = [1, 1]} : vector<1x4xf32> to vector<1x1xf32>
        %slice3A_95 = vector.extract_strided_slice %get3A_91 {offsets = [0, 1], sizes = [1, 1], strides = [1, 1]} : vector<1x4xf32> to vector<1x1xf32>
        %slice3A_96 = vector.extract_strided_slice %get3A_91 {offsets = [0, 2], sizes = [1, 1], strides = [1, 1]} : vector<1x4xf32> to vector<1x1xf32>
        %slice3A_97 = vector.extract_strided_slice %get3A_91 {offsets = [0, 3], sizes = [1, 1], strides = [1, 1]} : vector<1x4xf32> to vector<1x1xf32>
        %sub3A_98 = arith.subf %slice3A_96, %slice3A : vector<1x1xf32>
        %max3A = arith.constant 0.000000e+00 : f32
        %max3A_99 = vector.broadcast %max3A : f32 to vector<1x1xf32>
        %max3A_100 = arith.maximumf %sub3A_98, %max3A_99 : vector<1x1xf32>
        %sub3A_101 = arith.subf %slice3A_97, %slice3A_95 : vector<1x1xf32>
        %max3A_102 = arith.constant 0.000000e+00 : f32
        %max3A_103 = vector.broadcast %max3A_102 : f32 to vector<1x1xf32>
        %max3A_104 = arith.maximumf %sub3A_101, %max3A_103 : vector<1x1xf32>
        %mul3A_105 = arith.mulf %max3A_100, %max3A_104 : vector<1x1xf32>
        %swap3A_106 = arith.index_cast %while3A_77 : i32 to index
        %swap3A_107 = arith.constant 0 : index
        %swap3A_108 = vector.load %arg8[%swap3A_106, %swap3A_107] : memref<2048x1xf32, #tpu.memory_space<vmem>>, vector<1x1xf32>
        tpu.vector_store %arg8[%swap3A_106, %swap3A_107], %mul3A_105 {strides = array<i32>} : memref<2048x1xf32, #tpu.memory_space<vmem>>, vector<1x1xf32>,
        %max3A_109 = vector.broadcast %slice3A : vector<1x1xf32> to vector<1x128xf32>
        %max3A_110 = arith.maximumf %max3A_109, %get3A_19 : vector<1x128xf32>
        %max3A_111 = vector.broadcast %slice3A_95 : vector<1x1xf32> to vector<1x128xf32>
        %max3A_112 = arith.maximumf %max3A_111, %get3A_22 : vector<1x128xf32>
        %min3A = vector.broadcast %slice3A_96 : vector<1x1xf32> to vector<1x128xf32>
        %min3A_113 = arith.minimumf %min3A, %get3A_25 : vector<1x128xf32>
        %min3A_114 = vector.broadcast %slice3A_97 : vector<1x1xf32> to vector<1x128xf32>
        %min3A_115 = arith.minimumf %min3A_114, %get3A_28 : vector<1x128xf32>
        %sub3A_116 = arith.subf %min3A_113, %max3A_110 : vector<1x128xf32>
        %max3A_117 = arith.constant 0.000000e+00 : f32
        %max3A_118 = vector.broadcast %max3A_117 : f32 to vector<1x128xf32>
        %max3A_119 = arith.maximumf %sub3A_116, %max3A_118 : vector<1x128xf32>
        %sub3A_120 = arith.subf %min3A_115, %max3A_112 : vector<1x128xf32>
        %max3A_121 = arith.constant 0.000000e+00 : f32
        %max3A_122 = vector.broadcast %max3A_121 : f32 to vector<1x128xf32>
        %max3A_123 = arith.maximumf %sub3A_120, %max3A_122 : vector<1x128xf32>
        %mul3A_124 = arith.mulf %max3A_119, %max3A_123 : vector<1x128xf32>
        %add3A_125 = vector.broadcast %mul3A_105 : vector<1x1xf32> to vector<1x128xf32>
        %add3A_126 = arith.addf %add3A_125, %get3A_31 : vector<1x128xf32>
        %sub3A_127 = arith.subf %add3A_126, %mul3A_124 : vector<1x128xf32>
        %gt3A = arith.constant 0.000000e+00 : f32
        %gt3A_128 = vector.broadcast %gt3A : f32 to vector<1x128xf32>
        %gt3A_129 = arith.cmpf ogt, %sub3A_127, %gt3A_128 : vector<1x128xf32>
        %div3A_130 = arith.divf %mul3A_124, %sub3A_127 : vector<1x128xf32>
        %jit3A_131 = arith.constant 0.000000e+00 : f32
        %broadcast_in_dim3A_132 = vector.broadcast %jit3A_131 : f32 to vector<1x128xf32>
        %select_n3A_133 = arith.select %gt3A_129, %div3A_130, %broadcast_in_dim3A_132 : vector<1x128xi1>, vector<1x128xf32>
        %gt3A_134 = arith.constant 0.699999988 : f32
        %gt3A_135 = vector.broadcast %gt3A_134 : f32 to vector<1x128xf32>
        %gt3A_136 = arith.cmpf ogt, %select_n3A_133, %gt3A_135 : vector<1x128xf32>
        %eq3A_137 = vector.broadcast %reduce_min3A_87 : f32 to vector<1x128xf32>
        %eq3A_138 = arith.cmpf oeq, %add3A_34, %eq3A_137 : vector<1x128xf32>
        %or3A = arith.ori %gt3A_136, %eq3A_138 : vector<1x128xi1>
        %jit3A_139 = arith.constant 1.000000e+00 : f32
        %broadcast_in_dim3A_140 = vector.broadcast %jit3A_139 : f32 to vector<1x128xf32>
        %select_n3A_141 = arith.select %or3A, %broadcast_in_dim3A_140, %while3A_78 : vector<1x128xi1>, vector<1x128xf32>
        %add3A_142 = arith.constant 1 : i32
        %add3A_143 = arith.addi %while3A_77, %add3A_142 : i32
        scf.yield %add3A_143, %select_n3A_141 : i32, vector<1x128xf32>
      }
      %add3A_75 = arith.constant 1 : i32
      %add3A_76 = arith.addi %while3A_16, %add3A_75 : i32
      scf.yield %while3A_74#0, %add3A_76 : i32, i32
    }
    %get3A = arith.constant 0 : index
    %get3A_10 = arith.constant 0 : index
    %get3A_11 = vector.load %arg7[%get3A, %get3A_10] : memref<2048x4xf32, #tpu.memory_space<vmem>>, vector<2000x4xf32>
    %swap3A_12 = arith.constant 0 : index
    %swap3A_13 = arith.constant 0 : index
    %swap3A_14 = vector.load %arg6[%swap3A_12, %swap3A_13] : memref<2000x4xf32, #tpu.memory_space<vmem>>, vector<2000x4xf32>
    tpu.vector_store %arg6[%swap3A_12, %swap3A_13], %get3A_11 {strides = array<i32>} : memref<2000x4xf32, #tpu.memory_space<vmem>>, vector<2000x4xf32>,
    return
  }
}

</mosaic_0001>

<sc_bundles>
// kernel: kernel.5.cloned.1.call-start
scs
__scs_entry_jumppad:
0x0: {  	(pc) =	sbr.rel $0x88, $3  }
0x1: {  	(tag) =	ssettag $0x0;
	lr =	simm.s32 $0x1  }
0x2: {  	[smem:$0x3F9D] =	sst lr;
	_ =	strace $0xD0000000  }
0x3: {  	_ = 	snop  }
0x4: {  	_ = 	snop  }
0x5: {  	_ = 	snop  }
0x6: {  	_ = 	snop  }
0x7: {  	_ = 	snop  }
__scs_overlays_trampoline_lowered:
0x8: {  	[smem:$0x3FAC] =	sst s0  }
0x9: {  	[smem:$0x3FAD] =	sst s1  }
0xa: {  	[smem:$0x3FAE] =	sst s2  }
0xb: {  	[smem:$0x3FAF] =	sst s3  }
0xc: {  	[smem:$0x3FB0] =	sst s4  }
0xd: {  	[smem:$0x3FB1] =	sst s5  }
0xe: {  	[smem:$0x3FB2] =	sst s6  }
0xf: {  	[smem:$0x3FB3] =	sst s7  }
0x10: {  	[smem:$0x3FB4] =	sst s8  }
0x11: {  	[smem:$0x3FB5] =	sst s9;
	s0 =	simm.s32 @!p0 $0x0  }
0x12: {  	s1 =	sld [smem:$0x3F9B];
	s0 =	simm.s32 @p0 $0x1  }
0x13: {  	[smem:$0x3FB6] =	sst s0;
	s0 =	simm.s32 @!p1 $0x0  }
0x14: {  	s2 =	sld [smem:$0x3F9A];
	s0 =	simm.s32 @p1 $0x1  }
0x15: {  	[smem:$0x3FB7] =	sst s0;
	s0 =	simm.s32 @!p2 $0x0  }
0x16: {  	s3 =	sld [smem:$0x3FDB];
	s0 =	simm.s32 @p2 $0x1  }
0x17: {  	s4 =	simm.s32 $0x1BF5;
	[smem:$0x3FB9] =	sst s0  }
0x18: {  	s0 =	sld [smem:$0x3F9C];
	_ =	swait.ge [sflag:s4], $0x0  }
0x19: {  	s7 =	sld [smem:$0x3F9D]  }
0x1a: {  	s8 =	sadd.s32 $0xFFFFE003, lr  }
0x1b: {  	s9 =	sadd.s32 $0xFFFFFEF7, lr;
	s5 =	simm.s32 $0xFFFFFFFF;
	p2 =	slt.u32 s8, $0xFFFFF086  }
0x1c: {  	p1 =	slt.u32 s9, $0xF7A;
	s5 =	simm.s32 @!p2 $0x0  }
0x1d: {  	s5 =	simm.s32 @p1 $0x1;
	p0 =	seq.s32 s7, s2  }
0x1e: {  	s7 =	smul.u32 @!p0 $0xF7A, s2;
	p2 =	seq.s32 @!p0 s5, $0x0  }
0x1f: {  	s9 =	smul.u32 $0xF7A, s1;
	s8 =	simm.s32 @!p0 $0x1BF5;
	p2 =	por !p2, p0  }
0x20: {  	[sflag:s8] =	ssyncset.s32 @!p0 $0xFFFFF086;
	s6 =	sadd.s32 @!p0 s3, s7;
	s7 =	simm.s32 @!p0 $0x108  }
0x21: {  	s3 =	sadd.s32 s3, s9;
	s6 =	sadd.s32 @!p0 $0x88, s6;
	s7 =	simm.s32 @p2 $0x1082  }
0x22: {  	[simem:s7], [sflag:s8] =	dma.local @!p0 [hbm:s6], $0xF7A  }
0x23: {  	s9 =	sor.u32 $0xD0000000, s2;
	s6 =	simm.s32 $0x108;
	_ =	swait.ge @!p0 [sflag:s8], $0x0  }
0x24: {  	s3 =	sadd.s32 $0x88, s3;
	s6 =	simm.s32 @!p1 $0x1082;
	[sflag:s4] =	ssyncset.s32 $0xFFFFF086  }
0x25: {  	[simem:s6], [sflag:s4] =	dma.local [hbm:s3], $0xF7A  }
0x26: {  	[smem:$0x3F9D] =	sst s1;
	(tag) =	ssettag s2;
	_ =	strace s9  }
0x27: {  	s1 =	sld [smem:$0x3FAD]  }
0x28: {  	s2 =	sld [smem:$0x3FAE]  }
0x29: {  	s4 =	sld [smem:$0x3FB0]  }
0x2a: {  	p0 =	seq.s32 s5, $0x0;
	s5 =	sld [smem:$0x3FB1]  }
0x2b: {  	s6 =	sld [smem:$0x3FB2]  }
0x2c: {  	s7 =	sld [smem:$0x3FB3]  }
0x2d: {  	s3 =	simm.s32 $0x108;
	s8 =	sld [smem:$0x3FB4]  }
0x2e: {  	s3 =	simm.s32 @!p0 $0x1082;
	s9 =	sld [smem:$0x3FB5]  }
0x2f: {  	lr =	sadd.s32 s0, s3;
	s0 =	sld [smem:$0x3FAC]  }
0x30: {  	s3 =	sld [smem:$0x3FAF]  }
0x31: {  	[smem:$0x3FB8] =	sst s10  }
0x32: {  	s10 =	sld [smem:$0x3FB6];
	_ =	sdelay $0x3  }
0x33: {  	p0 =	seq.s32 s10, $0x1;
	s10 =	sld [smem:$0x3FB8];
	_ =	sdelay $0x3  }
0x34: {  	[smem:$0x3FB8] =	sst s10  }
0x35: {  	s10 =	sld [smem:$0x3FB7];
	_ =	sdelay $0x3  }
0x36: {  	p1 =	seq.s32 s10, $0x1;
	s10 =	sld [smem:$0x3FB8];
	_ =	sdelay $0x3  }
0x37: {  	[smem:$0x3FB8] =	sst s10  }
0x38: {  	s10 =	sld [smem:$0x3FB9]  }
0x39: {  	_ = 	snop;
	(pc) =	sbr.ind lr, $3  }
0x3a: {  	_ = 	snop  }
0x3b: {  	_ = 	snop  }
0x3c: {  	p2 =	seq.s32 s10, $0x1;
	s10 =	sld [smem:$0x3FB8]  }
0x3d: {  	_ =	shalt  }
0x3e: {  	_ =	shalt  }
0x3f: {  	_ =	shalt  }
0x40: {  	_ =	shalt  }
0x41: {  	_ =	shalt  }
0x42: {  	_ =	shalt  }
0x43: {  	_ =	shalt  }
0x44: {  	_ =	shalt  }
0x45: {  	_ =	shalt  }
0x46: {  	_ =	shalt  }
0x47: {  	_ =	shalt  }
0x48: {  	_ =	shalt  }
0x49: {  	_ =	shalt  }
0x4a: {  	_ =	shalt  }
0x4b: {  	_ =	shalt  }
0x4c: {  	_ =	shalt  }
0x4d: {  	_ =	shalt  }
0x4e: {  	_ =	shalt  }
0x4f: {  	_ =	shalt  }
0x50: {  	_ =	shalt  }
0x51: {  	_ =	shalt  }
0x52: {  	_ =	shalt  }
0x53: {  	_ =	shalt  }
0x54: {  	_ =	shalt  }
0x55: {  	_ =	shalt  }
0x56: {  	_ =	shalt  }
0x57: {  	_ =	shalt  }
0x58: {  	_ =	shalt  }
0x59: {  	_ =	shalt  }
0x5a: {  	_ =	shalt  }
0x5b: {  	_ =	shalt  }
0x5c: {  	_ =	shalt  }
0x5d: {  	_ =	shalt  }
0x5e: {  	_ =	shalt  }
0x5f: {  	_ =	shalt  }
0x60: {  	_ =	shalt  }
0x61: {  	_ =	shalt  }
0x62: {  	_ =	shalt  }
0x63: {  	_ =	shalt  }
0x64: {  	_ =	shalt  }
0x65: {  	_ =	shalt  }
0x66: {  	_ =	shalt  }
0x67: {  	_ =	shalt  }
0x68: {  	_ =	shalt  }
0x69: {  	_ =	shalt  }
0x6a: {  	_ =	shalt  }
0x6b: {  	_ =	shalt  }
0x6c: {  	_ =	shalt  }
0x6d: {  	_ =	shalt  }
0x6e: {  	_ =	shalt  }
0x6f: {  	_ =	shalt  }
0x70: {  	_ =	shalt  }
0x71: {  	_ =	shalt  }
0x72: {  	_ =	shalt  }
0x73: {  	_ =	shalt  }
0x74: {  	_ =	shalt  }
0x75: {  	_ =	shalt  }
0x76: {  	_ =	shalt  }
0x77: {  	_ =	shalt  }
0x78: {  	_ =	shalt  }
0x79: {  	_ =	shalt  }
0x7a: {  	_ =	shalt  }
0x7b: {  	_ =	shalt  }
0x7c: {  	_ =	shalt  }
0x7d: {  	_ =	shalt  }
0x7e: {  	_ =	shalt  }
0x7f: {  	_ =	shalt  }
0x80: {  	_ =	shalt  }
0x81: {  	_ =	shalt  }
0x82: {  	_ =	shalt  }
0x83: {  	_ =	shalt  }
0x84: {  	_ =	shalt  }
0x85: {  	_ =	shalt  }
0x86: {  	_ =	shalt  }
0x87: {  	_ =	shalt  }
.Lfunc_end0:
.L_simem_size_0:
called_computation_lowered:
.L_overlay_start_0:
0x88: {  	s2 =	sld [smem:$0x3FD9]  }
0x89: {  	s3 =	sld [smem:$0x3FFE];
	_ =	sdelay $0x1  }
0x8a: {  	s1 =	srdreg.scid  }
0x8b: {  	s0 =	sand.u32 $0x1, s1  }
0x8c: {  	s16 =	sshll.u32 s0, $0xA;
	s2 =	sadd.s32 s3, s2  }
0x8d: {  	s2 =	sadd.s32 s2, s16  }
0x8e: {  	[smem:$0x3FC4] =	sst s2  }
0x8f: {  	_ = 	snop  }
0x90: {  	(tm) =	ssettm $0x1  }
0x91: {  	s17 =	sld [smem:$0x3FFB];
	_ =	sdelay $0x3  }
0x92: {  	_ =	strace s17  }
0x93: {  	s2 =	sld [smem:$0x3FFC];
	_ =	sdelay $0x3  }
0x94: {  	_ =	strace s2  }
0x95: {  	s2 =	sld [smem:$0x3FFD];
	_ =	sdelay $0x3  }
0x96: {  	_ =	strace s2  }
0x97: {  	_ =	strace $0x8FFFFFFF  }
0x98: {  	s18 =	sld [smem:$0x3FDB];
	_ =	sdelay $0x1  }
0x99: {  	s19 =	simm.s32 $_scs_section_size  }
0x9a: {  	s4 =	simm.s32 $_size__tile_overlayer_lowered;
	s5 =	simm.s32 $_tile_overlayer_lowered  }
0x9b: {  	s22 =	simm.s32 $0x1BFF;
	s21 =	sshll.u32 s5, $0x1;
	s2 =	sadd.s32 s19, s18  }
0x9c: {  	s6 =	simm.s32 $0x0;
	s20 =	sshll.u32 s4, $0x1;
	s4 =	sadd.s32 s21, s2  }
0x9d: {  	[timem:s6], [sflag:s22] =	dma.local [hbm:s4], s20  }
0x9e: {  	_ =	swait.ge [sflag:s22], s20  }
0x9f: {  	s3 =	ssub.s32 $0x0, s20;
	[sflag:s22] =	ssyncset.done $0x0  }
0xa0: {  	[sflag:s22] =	ssyncadd.s32 s3;
	_ =	sdelay $0x1  }
0xa1: {  	s23 =	simm.s32 $0x1B8B  }
0xa2: {  	_ =	swait.ge [sflag:s23], $0x1  }
0xa3: {  	[sflag:s23] =	ssyncset.done $0x0  }
0xa4: {  	s25 =	simm.s32 $0x1B8E;
	s24 =	sld [smem:$0x3FFE];
	[sflag:s23] =	ssyncadd.s32 $0xFFFFFFFF  }
0xa5: {  	s26 =	simm.s32 $execute0_lowered;
	[smem:$0x3FD2] =	sst s25  }
0xa6: {  	s4 =	sshll.u32 s26, $0x1;
	_ =	strace $0x80000046;
	[dreg:$0x1] =	wrdreg $0xFFFFFFFF  }
0xa7: {  	s28 =	simm.s32 $_size_execute0_lowered;
	s2 =	sadd.s32 s2, s4;
	[dreg:$0x0] =	wrdreg $0x0  }
0xa8: {  	s4 =	sshll.u32 s28, $0x1;
	[dreg:$0x2] =	wrdreg s2  }
0xa9: {  	[dreg:$0x3] =	wrdreg s4  }
0xaa: {  	[dreg:$0x4] =	wrdreg $0xC0  }
0xab: {  	_ =	task [dreg:s6], $0x5FFFF  }
0xac: {  	[dreg:$0x1] =	wrdreg $0xFFFFFFFF  }
0xad: {  	[dreg:$0x0] =	wrdreg $0x60  }
0xae: {  	[dreg:$0x2] =	wrdreg s24  }
0xaf: {  	[dreg:$0x3] =	wrdreg $0x9  }
0xb0: {  	_ =	task.clear_ibuf [dreg:s6], $0x4FFFF;
	_ =	strace $0x90000046  }
0xb1: {  	s29 =	simm.s32 $0x9;
	_ =	strace $0x80000048  }
0xb2: {  	_ =	swait.ge [sflag:s29], $0x1  }
0xb3: {  	[sflag:s29] =	ssyncadd.s32 $0xFFFFFFFF  }
0xb4: {  	_ =	strace $0x90000048  }
0xb5: {  	_ =	sfence  }
0xb6: {  	s30 =	sld [smem:$0x0];
	_ =	sdelay $0x2  }
0xb7: {  	s31 =	sshll.u32 s1, $0xD;
	s1 =	sshrl.u32 s1, $0x2  }
0xb8: {  	s3 =	sand.u32 $0x4000, s31;
	s1 =	sadd.s32 s1, s30  }
0xb9: {  	s0 =	sor.u32 s3, s0;
	s1 =	sshll.u32 s1, $0x11  }
0xba: {  	s0 =	sor.u32 s1, s0  }
0xbb: {  	s0 =	sadd.s32 $0x8F2B, s0  }
0xbc: {  	[sflag:s0] =	ssyncadd.remote.s32 $0x1  }
0xbd: {  	_ =	sfence.sel $0xFFFF  }
0xbe: {  	[dreg:$0x0] =	wrdreg $0xFFFFFFFF;
	(pc) =	sbr.abs _section_cstart, $3  }
0xbf: {  	[dreg:$0x1] =	wrdreg $0xFFFFFFFF  }
0xc0: {  	_ =	task.clear_ibuf [dreg:s6], $0x2FFFF;
	_ =	strace $0x9FFFFFFF  }
0xc1: {  	(tm) =	ssettm $0x7FFFFFFF  }
tec
execute0_lowered:
.L_overlay_start_1:
0x0: {  	(tag) =	ssettag $0x1  }
0x1: {  	s1 =	srdreg.scid;
	s0 =	stileid.u32  }
0x2: {  	s23 =	sand.u32 $0x1, s1;
	s29 =	sshll.u32 s0, $0x1  }
0x3: {  	s5 =	sor.u32 s23, s29  }
0x4: {  	s25 =	smul.u32 $0x2C0, s5  }
0x5: {  	s22 =	rddreg [dreg:$0x0];
	s2 =	simm.s32 $0x0  }
0x6: {  	s4 =	simm.s32 $0x2;
	[smem:$0x7FF] =	sst s2;
	s3 =	sshrl.u32 s25, $0x3  }
0x7: {  	s1 =	rddreg [dreg:$0x1];
	_ =	strace $0x80000047;
	s3 =	sadd.s32 s22, s3  }
0x8: {  	[tilespmem:s2], [sflag:$0x2] =	stream.linear.gather [hbm4b:s3+s2], $0x58, $0x38;
	[tilespmem:$0x2C80] =	vst v63  }
0x9: {  	s5 =	smul.u32 $0x2C00, s5;
	_ =	swait.ge [sflag:s4], $0x58  }
0xa: {  	s24 =	sadd.s32 $0xC00, s22;
	[sflag:s4] =	ssyncset.done $0x0  }
0xb: {  	s6 =	simm.s32 $0x80;
	s5 =	sadd.s32 s24, s5;
	[sflag:s4] =	ssyncadd.s32 $0xFFFFFFA8  }
0xc: {  	[tilespmem:s6], [sflag:$0x2] =	stream.linear.gather [hbm4b:s5+s2], $0x2C00, $0x38;
	[tilespmem:$0x2C80] =	vst v63  }
0xd: {  	_ =	swait.ge [sflag:s4], $0x2C00  }
0xe: {  	s9 =	simm.s32 $0x58;
	[sflag:s4] =	ssyncset.done $0x0  }
0xf: {  	s8 =	simm.s32 $0x1;
	s7 =	sadd.s32 $0x58C00, s22;
	[sflag:s4] =	ssyncadd.s32 $0xFFFFD400  }
0x10: {  	[hbm4b:s7+s9] =	stream.indirect.scatter [tilespmem:s6], [sflag:$0x1], $0x80, s2, s9, $0xb8;
	[tilespmem:$0x2C80] =	vst v63  }
0x11: {  	s11 =	sadd.s32 $0x58, s25;
	_ =	swait.ge [sflag:s8], $0x2C00  }
0x12: {  	s10 =	sshrl.u32 s11, $0x3;
	[sflag:s8] =	ssyncset.done $0x0  }
0x13: {  	s10 =	sadd.s32 s22, s10;
	[sflag:s8] =	ssyncadd.s32 $0xFFFFD400  }
0x14: {  	[tilespmem:s2], [sflag:$0x2] =	stream.linear.gather [hbm4b:s10+s2], $0x58, $0x38;
	[tilespmem:$0x2C80] =	vst v63  }
0x15: {  	_ =	swait.ge [sflag:s4], $0x58  }
0x16: {  	s11 =	sshll.u32 s11, $0x4;
	[sflag:s4] =	ssyncset.done $0x0  }
0x17: {  	s11 =	sadd.s32 s24, s11;
	[sflag:s4] =	ssyncadd.s32 $0xFFFFFFA8  }
0x18: {  	[tilespmem:s6], [sflag:$0x2] =	stream.linear.gather [hbm4b:s11+s2], $0x2C00, $0x38;
	[tilespmem:$0x2C80] =	vst v63  }
0x19: {  	_ =	swait.ge [sflag:s4], $0x2C00  }
0x1a: {  	[sflag:s4] =	ssyncset.done $0x0  }
0x1b: {  	[sflag:s4] =	ssyncadd.s32 $0xFFFFD400  }
0x1c: {  	[hbm4b:s7+s9] =	stream.indirect.scatter [tilespmem:s6], [sflag:$0x1], $0x80, s2, s9, $0xb8;
	[tilespmem:$0x2C80] =	vst v63  }
0x1d: {  	s13 =	sadd.s32 $0xB0, s25;
	_ =	swait.ge [sflag:s8], $0x2C00  }
0x1e: {  	s12 =	sshrl.u32 s13, $0x3;
	[sflag:s8] =	ssyncset.done $0x0  }
0x1f: {  	s12 =	sadd.s32 s22, s12;
	[sflag:s8] =	ssyncadd.s32 $0xFFFFD400  }
0x20: {  	[tilespmem:s2], [sflag:$0x2] =	stream.linear.gather [hbm4b:s12+s2], $0x58, $0x38;
	[tilespmem:$0x2C80] =	vst v63  }
0x21: {  	_ =	swait.ge [sflag:s4], $0x58  }
0x22: {  	s13 =	sshll.u32 s13, $0x4;
	[sflag:s4] =	ssyncset.done $0x0  }
0x23: {  	s13 =	sadd.s32 s24, s13;
	[sflag:s4] =	ssyncadd.s32 $0xFFFFFFA8  }
0x24: {  	[tilespmem:s6], [sflag:$0x2] =	stream.linear.gather [hbm4b:s13+s2], $0x2C00, $0x38;
	[tilespmem:$0x2C80] =	vst v63  }
0x25: {  	_ =	swait.ge [sflag:s4], $0x2C00  }
0x26: {  	[sflag:s4] =	ssyncset.done $0x0  }
0x27: {  	[sflag:s4] =	ssyncadd.s32 $0xFFFFD400  }
0x28: {  	[hbm4b:s7+s9] =	stream.indirect.scatter [tilespmem:s6], [sflag:$0x1], $0x80, s2, s9, $0xb8;
	[tilespmem:$0x2C80] =	vst v63  }
0x29: {  	s15 =	sadd.s32 $0x108, s25;
	_ =	swait.ge [sflag:s8], $0x2C00  }
0x2a: {  	s14 =	sshrl.u32 s15, $0x3;
	[sflag:s8] =	ssyncset.done $0x0  }
0x2b: {  	s14 =	sadd.s32 s22, s14;
	[sflag:s8] =	ssyncadd.s32 $0xFFFFD400  }
0x2c: {  	[tilespmem:s2], [sflag:$0x2] =	stream.linear.gather [hbm4b:s14+s2], $0x58, $0x38;
	[tilespmem:$0x2C80] =	vst v63  }
0x2d: {  	_ =	swait.ge [sflag:s4], $0x58  }
0x2e: {  	s15 =	sshll.u32 s15, $0x4;
	[sflag:s4] =	ssyncset.done $0x0  }
0x2f: {  	s15 =	sadd.s32 s24, s15;
	[sflag:s4] =	ssyncadd.s32 $0xFFFFFFA8  }
0x30: {  	[tilespmem:s6], [sflag:$0x2] =	stream.linear.gather [hbm4b:s15+s2], $0x2C00, $0x38;
	[tilespmem:$0x2C80] =	vst v63  }
0x31: {  	_ =	swait.ge [sflag:s4], $0x2C00  }
0x32: {  	[sflag:s4] =	ssyncset.done $0x0  }
0x33: {  	[sflag:s4] =	ssyncadd.s32 $0xFFFFD400  }
0x34: {  	[hbm4b:s7+s9] =	stream.indirect.scatter [tilespmem:s6], [sflag:$0x1], $0x80, s2, s9, $0xb8;
	[tilespmem:$0x2C80] =	vst v63  }
0x35: {  	s17 =	sadd.s32 $0x160, s25;
	_ =	swait.ge [sflag:s8], $0x2C00  }
0x36: {  	s16 =	sshrl.u32 s17, $0x3;
	[sflag:s8] =	ssyncset.done $0x0  }
0x37: {  	s16 =	sadd.s32 s22, s16;
	[sflag:s8] =	ssyncadd.s32 $0xFFFFD400  }
0x38: {  	[tilespmem:s2], [sflag:$0x2] =	stream.linear.gather [hbm4b:s16+s2], $0x58, $0x38;
	[tilespmem:$0x2C80] =	vst v63  }
0x39: {  	_ =	swait.ge [sflag:s4], $0x58  }
0x3a: {  	s17 =	sshll.u32 s17, $0x4;
	[sflag:s4] =	ssyncset.done $0x0  }
0x3b: {  	s17 =	sadd.s32 s24, s17;
	[sflag:s4] =	ssyncadd.s32 $0xFFFFFFA8  }
0x3c: {  	[tilespmem:s6], [sflag:$0x2] =	stream.linear.gather [hbm4b:s17+s2], $0x2C00, $0x38;
	[tilespmem:$0x2C80] =	vst v63  }
0x3d: {  	_ =	swait.ge [sflag:s4], $0x2C00  }
0x3e: {  	[sflag:s4] =	ssyncset.done $0x0  }
0x3f: {  	[sflag:s4] =	ssyncadd.s32 $0xFFFFD400  }
0x40: {  	[hbm4b:s7+s9] =	stream.indirect.scatter [tilespmem:s6], [sflag:$0x1], $0x80, s2, s9, $0xb8;
	[tilespmem:$0x2C80] =	vst v63  }
0x41: {  	s19 =	sadd.s32 $0x1B8, s25;
	_ =	swait.ge [sflag:s8], $0x2C00  }
0x42: {  	s18 =	sshrl.u32 s19, $0x3;
	[sflag:s8] =	ssyncset.done $0x0  }
0x43: {  	s18 =	sadd.s32 s22, s18;
	[sflag:s8] =	ssyncadd.s32 $0xFFFFD400  }
0x44: {  	[tilespmem:s2], [sflag:$0x2] =	stream.linear.gather [hbm4b:s18+s2], $0x58, $0x38;
	[tilespmem:$0x2C80] =	vst v63  }
0x45: {  	_ =	swait.ge [sflag:s4], $0x58  }
0x46: {  	s19 =	sshll.u32 s19, $0x4;
	[sflag:s4] =	ssyncset.done $0x0  }
0x47: {  	s19 =	sadd.s32 s24, s19;
	[sflag:s4] =	ssyncadd.s32 $0xFFFFFFA8  }
0x48: {  	[tilespmem:s6], [sflag:$0x2] =	stream.linear.gather [hbm4b:s19+s2], $0x2C00, $0x38;
	[tilespmem:$0x2C80] =	vst v63  }
0x49: {  	_ =	swait.ge [sflag:s4], $0x2C00  }
0x4a: {  	[sflag:s4] =	ssyncset.done $0x0  }
0x4b: {  	[sflag:s4] =	ssyncadd.s32 $0xFFFFD400  }
0x4c: {  	[hbm4b:s7+s9] =	stream.indirect.scatter [tilespmem:s6], [sflag:$0x1], $0x80, s2, s9, $0xb8;
	[tilespmem:$0x2C80] =	vst v63  }
0x4d: {  	s21 =	sadd.s32 $0x210, s25;
	_ =	swait.ge [sflag:s8], $0x2C00  }
0x4e: {  	s20 =	sshrl.u32 s21, $0x3;
	[sflag:s8] =	ssyncset.done $0x0  }
0x4f: {  	s20 =	sadd.s32 s22, s20;
	[sflag:s8] =	ssyncadd.s32 $0xFFFFD400  }
0x50: {  	[tilespmem:s2], [sflag:$0x2] =	stream.linear.gather [hbm4b:s20+s2], $0x58, $0x38;
	[tilespmem:$0x2C80] =	vst v63  }
0x51: {  	_ =	swait.ge [sflag:s4], $0x58  }
0x52: {  	s21 =	sshll.u32 s21, $0x4;
	[sflag:s4] =	ssyncset.done $0x0  }
0x53: {  	s21 =	sadd.s32 s24, s21;
	[sflag:s4] =	ssyncadd.s32 $0xFFFFFFA8  }
0x54: {  	[tilespmem:s6], [sflag:$0x2] =	stream.linear.gather [hbm4b:s21+s2], $0x2C00, $0x38;
	[tilespmem:$0x2C80] =	vst v63  }
0x55: {  	_ =	swait.ge [sflag:s4], $0x2C00  }
0x56: {  	[sflag:s4] =	ssyncset.done $0x0  }
0x57: {  	[sflag:s4] =	ssyncadd.s32 $0xFFFFD400  }
0x58: {  	[hbm4b:s7+s9] =	stream.indirect.scatter [tilespmem:s6], [sflag:$0x1], $0x80, s2, s9, $0xb8;
	[tilespmem:$0x2C80] =	vst v63  }
0x59: {  	s25 =	sadd.s32 $0x268, s25;
	_ =	swait.ge [sflag:s8], $0x2C00  }
0x5a: {  	s26 =	sshrl.u32 s25, $0x3;
	[sflag:s8] =	ssyncset.done $0x0  }
0x5b: {  	s30 =	ssub.s32 $0x2, s23;
	s22 =	sadd.s32 s22, s26;
	[sflag:s8] =	ssyncadd.s32 $0xFFFFD400  }
0x5c: {  	[tilespmem:s2], [sflag:$0x2] =	stream.linear.gather [hbm4b:s22+s2], $0x58, $0x38;
	[tilespmem:$0x2C80] =	vst v63  }
0x5d: {  	s31 =	sshrl.u32 s30, $0x1;
	s25 =	sshll.u32 s25, $0x4;
	_ =	swait.ge [sflag:s4], $0x58  }
0x5e: {  	s23 =	sadd.s32 s24, s25;
	s24 =	ssub.s32 s30, s31;
	[sflag:s4] =	ssyncset.done $0x0  }
0x5f: {  	s24 =	smax.u32 s24, $0x1;
	[sflag:s4] =	ssyncadd.s32 $0xFFFFFFA8  }
0x60: {  	[tilespmem:s6], [sflag:$0x2] =	stream.linear.gather [hbm4b:s23+s2], $0x2C00, $0x38;
	[tilespmem:$0x2C80] =	vst v63  }
0x61: {  	p0 =	sne.s32 s24, $0x1;
	_ =	swait.ge [sflag:s4], $0x2C00  }
.Ltmp0:
0x62: {  	[sflag:s4] =	ssyncset.done $0x0;
	(pc) =	sbr.rel @!p0 .LBB2_2-.Ltmp0, $4  }
0x63: {  	[sflag:s4] =	ssyncadd.s32 $0xFFFFD400  }
0x64: {  	[hbm4b:s7+s9] =	stream.indirect.scatter [tilespmem:s6], [sflag:$0x1], $0x80, s2, s9, $0xb8;
	[tilespmem:$0x2C80] =	vst v63  }
0x65: {  	_ =	swait.ge [sflag:s8], $0x2C00  }
0x66: {  	s24 =	sadd.s32 $0xFFFFFFFF, s24;
	[sflag:s8] =	ssyncset.done $0x0  }
.LBB2_1:
0x67: {  	p0 =	sne.s32 s24, $0x1;
	s24 =	sadd.s32 $0xFFFFFFFF, s24;
	[sflag:s8] =	ssyncadd.s32 $0xFFFFD400  }
0x68: {  	[tilespmem:s2], [sflag:$0x2] =	stream.linear.gather [hbm4b:s3+s2], $0x58, $0x38;
	[tilespmem:$0x2C80] =	vst v63  }
0x69: {  	_ =	swait.ge [sflag:s4], $0x58  }
0x6a: {  	[sflag:s4] =	ssyncset.done $0x0  }
0x6b: {  	[sflag:s4] =	ssyncadd.s32 $0xFFFFFFA8  }
0x6c: {  	[tilespmem:s6], [sflag:$0x2] =	stream.linear.gather [hbm4b:s5+s2], $0x2C00, $0x38;
	[tilespmem:$0x2C80] =	vst v63  }
0x6d: {  	_ =	swait.ge [sflag:s4], $0x2C00  }
0x6e: {  	[sflag:s4] =	ssyncset.done $0x0  }
0x6f: {  	[sflag:s4] =	ssyncadd.s32 $0xFFFFD400  }
0x70: {  	[hbm4b:s7+s9] =	stream.indirect.scatter [tilespmem:s6], [sflag:$0x1], $0x80, s2, s9, $0xb8;
	[tilespmem:$0x2C80] =	vst v63  }
0x71: {  	_ =	swait.ge [sflag:s8], $0x2C00  }
0x72: {  	[sflag:s8] =	ssyncset.done $0x0  }
0x73: {  	[sflag:s8] =	ssyncadd.s32 $0xFFFFD400  }
0x74: {  	[tilespmem:s2], [sflag:$0x2] =	stream.linear.gather [hbm4b:s10+s2], $0x58, $0x38;
	[tilespmem:$0x2C80] =	vst v63  }
0x75: {  	_ =	swait.ge [sflag:s4], $0x58  }
0x76: {  	[sflag:s4] =	ssyncset.done $0x0  }
0x77: {  	[sflag:s4] =	ssyncadd.s32 $0xFFFFFFA8  }
0x78: {  	[tilespmem:s6], [sflag:$0x2] =	stream.linear.gather [hbm4b:s11+s2], $0x2C00, $0x38;
	[tilespmem:$0x2C80] =	vst v63  }
0x79: {  	_ =	swait.ge [sflag:s4], $0x2C00  }
0x7a: {  	[sflag:s4] =	ssyncset.done $0x0  }
0x7b: {  	[sflag:s4] =	ssyncadd.s32 $0xFFFFD400  }
0x7c: {  	[hbm4b:s7+s9] =	stream.indirect.scatter [tilespmem:s6], [sflag:$0x1], $0x80, s2, s9, $0xb8;
	[tilespmem:$0x2C80] =	vst v63  }
0x7d: {  	_ =	swait.ge [sflag:s8], $0x2C00  }
0x7e: {  	[sflag:s8] =	ssyncset.done $0x0  }
0x7f: {  	[sflag:s8] =	ssyncadd.s32 $0xFFFFD400  }
0x80: {  	[tilespmem:s2], [sflag:$0x2] =	stream.linear.gather [hbm4b:s12+s2], $0x58, $0x38;
	[tilespmem:$0x2C80] =	vst v63  }
0x81: {  	_ =	swait.ge [sflag:s4], $0x58  }
0x82: {  	[sflag:s4] =	ssyncset.done $0x0  }
0x83: {  	[sflag:s4] =	ssyncadd.s32 $0xFFFFFFA8  }
0x84: {  	[tilespmem:s6], [sflag:$0x2] =	stream.linear.gather [hbm4b:s13+s2], $0x2C00, $0x38;
	[tilespmem:$0x2C80] =	vst v63  }
0x85: {  	_ =	swait.ge [sflag:s4], $0x2C00  }
0x86: {  	[sflag:s4] =	ssyncset.done $0x0  }
0x87: {  	[sflag:s4] =	ssyncadd.s32 $0xFFFFD400  }
0x88: {  	[hbm4b:s7+s9] =	stream.indirect.scatter [tilespmem:s6], [sflag:$0x1], $0x80, s2, s9, $0xb8;
	[tilespmem:$0x2C80] =	vst v63  }
0x89: {  	_ =	swait.ge [sflag:s8], $0x2C00  }
0x8a: {  	[sflag:s8] =	ssyncset.done $0x0  }
0x8b: {  	[sflag:s8] =	ssyncadd.s32 $0xFFFFD400  }
0x8c: {  	[tilespmem:s2], [sflag:$0x2] =	stream.linear.gather [hbm4b:s14+s2], $0x58, $0x38;
	[tilespmem:$0x2C80] =	vst v63  }
0x8d: {  	_ =	swait.ge [sflag:s4], $0x58  }
0x8e: {  	[sflag:s4] =	ssyncset.done $0x0  }
0x8f: {  	[sflag:s4] =	ssyncadd.s32 $0xFFFFFFA8  }
0x90: {  	[tilespmem:s6], [sflag:$0x2] =	stream.linear.gather [hbm4b:s15+s2], $0x2C00, $0x38;
	[tilespmem:$0x2C80] =	vst v63  }
0x91: {  	_ =	swait.ge [sflag:s4], $0x2C00  }
0x92: {  	[sflag:s4] =	ssyncset.done $0x0  }
0x93: {  	[sflag:s4] =	ssyncadd.s32 $0xFFFFD400  }
0x94: {  	[hbm4b:s7+s9] =	stream.indirect.scatter [tilespmem:s6], [sflag:$0x1], $0x80, s2, s9, $0xb8;
	[tilespmem:$0x2C80] =	vst v63  }
0x95: {  	_ =	swait.ge [sflag:s8], $0x2C00  }
0x96: {  	[sflag:s8] =	ssyncset.done $0x0  }
0x97: {  	[sflag:s8] =	ssyncadd.s32 $0xFFFFD400  }
0x98: {  	[tilespmem:s2], [sflag:$0x2] =	stream.linear.gather [hbm4b:s16+s2], $0x58, $0x38;
	[tilespmem:$0x2C80] =	vst v63  }
0x99: {  	_ =	swait.ge [sflag:s4], $0x58  }
0x9a: {  	[sflag:s4] =	ssyncset.done $0x0  }
0x9b: {  	[sflag:s4] =	ssyncadd.s32 $0xFFFFFFA8  }
0x9c: {  	[tilespmem:s6], [sflag:$0x2] =	stream.linear.gather [hbm4b:s17+s2], $0x2C00, $0x38;
	[tilespmem:$0x2C80] =	vst v63  }
0x9d: {  	_ =	swait.ge [sflag:s4], $0x2C00  }
0x9e: {  	[sflag:s4] =	ssyncset.done $0x0  }
0x9f: {  	[sflag:s4] =	ssyncadd.s32 $0xFFFFD400  }
0xa0: {  	[hbm4b:s7+s9] =	stream.indirect.scatter [tilespmem:s6], [sflag:$0x1], $0x80, s2, s9, $0xb8;
	[tilespmem:$0x2C80] =	vst v63  }
0xa1: {  	_ =	swait.ge [sflag:s8], $0x2C00  }
0xa2: {  	[sflag:s8] =	ssyncset.done $0x0  }
0xa3: {  	[sflag:s8] =	ssyncadd.s32 $0xFFFFD400  }
0xa4: {  	[tilespmem:s2], [sflag:$0x2] =	stream.linear.gather [hbm4b:s18+s2], $0x58, $0x38;
	[tilespmem:$0x2C80] =	vst v63  }
0xa5: {  	_ =	swait.ge [sflag:s4], $0x58  }
0xa6: {  	[sflag:s4] =	ssyncset.done $0x0  }
0xa7: {  	[sflag:s4] =	ssyncadd.s32 $0xFFFFFFA8  }
0xa8: {  	[tilespmem:s6], [sflag:$0x2] =	stream.linear.gather [hbm4b:s19+s2], $0x2C00, $0x38;
	[tilespmem:$0x2C80] =	vst v63  }
0xa9: {  	_ =	swait.ge [sflag:s4], $0x2C00  }
0xaa: {  	[sflag:s4] =	ssyncset.done $0x0  }
0xab: {  	[sflag:s4] =	ssyncadd.s32 $0xFFFFD400  }
0xac: {  	[hbm4b:s7+s9] =	stream.indirect.scatter [tilespmem:s6], [sflag:$0x1], $0x80, s2, s9, $0xb8;
	[tilespmem:$0x2C80] =	vst v63  }
0xad: {  	_ =	swait.ge [sflag:s8], $0x2C00  }
0xae: {  	[sflag:s8] =	ssyncset.done $0x0  }
0xaf: {  	[sflag:s8] =	ssyncadd.s32 $0xFFFFD400  }
0xb0: {  	[tilespmem:s2], [sflag:$0x2] =	stream.linear.gather [hbm4b:s20+s2], $0x58, $0x38;
	[tilespmem:$0x2C80] =	vst v63  }
0xb1: {  	_ =	swait.ge [sflag:s4], $0x58  }
0xb2: {  	[sflag:s4] =	ssyncset.done $0x0  }
0xb3: {  	[sflag:s4] =	ssyncadd.s32 $0xFFFFFFA8  }
0xb4: {  	[tilespmem:s6], [sflag:$0x2] =	stream.linear.gather [hbm4b:s21+s2], $0x2C00, $0x38;
	[tilespmem:$0x2C80] =	vst v63  }
0xb5: {  	_ =	swait.ge [sflag:s4], $0x2C00  }
0xb6: {  	[sflag:s4] =	ssyncset.done $0x0  }
0xb7: {  	[sflag:s4] =	ssyncadd.s32 $0xFFFFD400  }
0xb8: {  	[hbm4b:s7+s9] =	stream.indirect.scatter [tilespmem:s6], [sflag:$0x1], $0x80, s2, s9, $0xb8;
	[tilespmem:$0x2C80] =	vst v63  }
0xb9: {  	_ =	swait.ge [sflag:s8], $0x2C00  }
0xba: {  	[sflag:s8] =	ssyncset.done $0x0  }
0xbb: {  	[sflag:s8] =	ssyncadd.s32 $0xFFFFD400  }
0xbc: {  	[tilespmem:s2], [sflag:$0x2] =	stream.linear.gather [hbm4b:s22+s2], $0x58, $0x38;
	[tilespmem:$0x2C80] =	vst v63  }
0xbd: {  	_ =	swait.ge [sflag:s4], $0x58  }
0xbe: {  	[sflag:s4] =	ssyncset.done $0x0  }
0xbf: {  	[sflag:s4] =	ssyncadd.s32 $0xFFFFFFA8  }
0xc0: {  	[tilespmem:s6], [sflag:$0x2] =	stream.linear.gather [hbm4b:s23+s2], $0x2C00, $0x38;
	[tilespmem:$0x2C80] =	vst v63  }
0xc1: {  	_ =	swait.ge [sflag:s4], $0x2C00  }
.Ltmp1:
0xc2: {  	[sflag:s4] =	ssyncset.done $0x0;
	(pc) =	sbr.rel @p0 .LBB2_1-.Ltmp1, $4  }
0xc3: {  	[sflag:s4] =	ssyncadd.s32 $0xFFFFD400  }
0xc4: {  	[hbm4b:s7+s9] =	stream.indirect.scatter [tilespmem:s6], [sflag:$0x1], $0x80, s2, s9, $0xb8;
	[tilespmem:$0x2C80] =	vst v63  }
0xc5: {  	_ =	swait.ge [sflag:s8], $0x2C00  }
0xc6: {  	[sflag:s8] =	ssyncset.done $0x0  }
.LBB2_2:
0xc7: {  	[sflag:s8] =	ssyncadd.s32 $0xFFFFD400  }
0xc8: {  	_ =	sfence.sel $0x180000  }
0xc9: {  	[bflag:$0x0] =	sbarrier.arrive $0xFFFF  }
0xca: {  	p0 =	sne.s32 s0, $0x0;
	_ =	strace $0x90000047  }
0xcb: {  	s0 =	sadd.s32 @!p0 $0x100000, s1;
	[bflag:$0x2] =	sbarrier.arrive $0xFFFF  }
0xcc: {  	[sflag:s0] =	ssyncadd.tile.s32 @!p0 $0x1;
	_ =	shalt  }
.Lfunc_end2:
_tile_overlayer_lowered:
.L_overlay_start_2:
0xcd: {  	(tag) =	ssettag $0x2  }
0xce: {  	s0 =	rddreg [dreg:$0x0];
	s2 =	stileid.u32  }
0xcf: {  	s1 =	rddreg [dreg:$0x1];
	p0 =	sne.s32 s2, $0x0  }
0xd0: {  	s3 =	rddreg [dreg:$0x2];
	[bflag:$0x3] =	sbarrier.arrive $0xFFFF;
	s2 =	simm.s32 @!p0 $0x1C02  }
0xd1: {  	[timem:s3], [sflag:s2] =	dma.local @!p0 [hbm:s0], s1  }
0xd2: {  	s0 =	simm.s32 @!p0 $0x2  }
0xd3: {  	_ =	swait.ge @!p0 [sflag:s0], s1  }
0xd4: {  	s1 =	ssub.s32 @!p0 $0x0, s1;
	[sflag:s0] =	ssyncset.done @!p0 $0x0  }
0xd5: {  	[sflag:s0] =	ssyncadd.s32 @!p0 s1  }
0xd6: {  	[bflag:$0x3] =	sbarrier.arrive $0xFFFF  }
0xd7: {  	_ =	shalt  }

</sc_bundles>
